<compile_context>
chip_gen: v7x
topology: tpu7x:2x2x1
jax: 0.10.2.dev20260603
libtpu: 0.0.44.dev20260713+nightly
codegen_flags: <defaults>
</compile_context>

<pallas_src>
import functools

import jax
import jax.numpy as jnp
import numpy as np
from jax import lax
from jax.experimental import pallas as pl
from jax.experimental.pallas import tpu as pltpu
from jax.experimental.pallas import tpu_sc as plsc

NC, NS, L = 2, 16, 16
NW = NC * NS

NELEM = 2 * 4096 * 2048
_PER_LOW = 0.1 * 0.01
_PER_HIGH = 99.9 * 0.01
_lower_k = int(_PER_LOW * NELEM)
K_LO = _lower_k if _lower_k > 0 else 1
K_HI = int(_PER_HIGH * NELEM)

ROWS = 8192
COLS = 2048
ROWS_PT = ROWS // NW
CHUNK_R = 16
CHUNK = CHUNK_R * COLS
N_CHUNKS = ROWS_PT // CHUNK_R
N_PAIRS = N_CHUNKS // 2
UNROLL = 8

B1, B2, B3 = 13, 10, 9
H1 = 1 << B1


@functools.cache
def _build_sc_kernels():
    mesh = plsc.VectorSubcoreMesh(
        core_axis_name="c", subcore_axis_name="s",
        num_cores=NC, num_subcores=NS,
    )

    def _prime(x_hbm, base, b0, b1, s0, s1):
        pltpu.async_copy(x_hbm.at[pl.ds(base, CHUNK_R), :], b0, s0)
        pltpu.async_copy(x_hbm.at[pl.ds(base + CHUNK_R, CHUNK_R), :], b1, s1)

    def _scan_chunks(x_hbm, base, b0, b1, s0, s1, process):
        def pair(p, _):
            r0 = base + 2 * p * CHUNK_R
            pltpu.make_async_copy(
                x_hbm.at[pl.ds(base, CHUNK_R), :], b0, s0).wait()
            process(b0)

            @pl.when(p < N_PAIRS - 1)
            def _():
                pltpu.async_copy(
                    x_hbm.at[pl.ds(r0 + 2 * CHUNK_R, CHUNK_R), :], b0, s0)

            pltpu.make_async_copy(
                x_hbm.at[pl.ds(base, CHUNK_R), :], b1, s1).wait()
            process(b1)

            @pl.when(p < N_PAIRS - 1)
            def _():
                pltpu.async_copy(
                    x_hbm.at[pl.ds(r0 + 3 * CHUNK_R, CHUNK_R), :], b1, s1)

            return 0

        lax.fori_loop(0, N_PAIRS, pair, 0)

    @functools.partial(
        pl.kernel,
        out_type=jax.ShapeDtypeStruct((NW, H1), jnp.int32),
        mesh=mesh,
        compiler_params=pltpu.CompilerParams(
            needs_layout_passes=False, use_tc_tiling_on_sc=True),
        scratch_types=[
            pltpu.VMEM((CHUNK_R, COLS), jnp.float32),
            pltpu.VMEM((CHUNK_R, COLS), jnp.float32),
            pltpu.VMEM((H1,), jnp.int32),
            pltpu.SemaphoreType.DMA,
            pltpu.SemaphoreType.DMA,
        ],
    )
    def _sc_pass1(x_hbm, out_hbm, b0, b1, hist, s0, s1):
        wid = lax.axis_index("s") * NC + lax.axis_index("c")
        base = wid * ROWS_PT
        _prime(x_hbm, base, b0, b1, s0, s1)

        zeros = jnp.zeros((L,), jnp.int32)
        def zbody(i, _):
            for u_ in range(UNROLL):
                hist[pl.ds(i * (L * UNROLL) + u_ * L, L)] = zeros
            return 0
        lax.fori_loop(0, H1 // (L * UNROLL), zbody, 0)

        ones = jnp.ones((L,), jnp.int32)

        def process(buf):
            @functools.partial(
                plsc.parallel_loop, 0, CHUNK // L, unroll=UNROLL)
            def vec_body(i):
                r = lax.shift_right_logical(i, 7)
                c = lax.bitwise_and(i, 127) * L
                v = buf[r, pl.ds(c, L)]
                u = plsc.bitcast(v, jnp.int32)
                b = lax.shift_right_logical(u, 32 - B1)
                plsc.addupdate_scatter(hist, [b], ones)

        _scan_chunks(x_hbm, base, b0, b1, s0, s1, process)
        pltpu.sync_copy(hist, out_hbm.at[wid])

    def _make_refine(hi_shift, lo_shift, bits, hsz):
        n = 1 << bits

        @functools.partial(
            pl.kernel,
            out_type=jax.ShapeDtypeStruct((NW, hsz), jnp.int32),
            mesh=mesh,
            compiler_params=pltpu.CompilerParams(
                needs_layout_passes=False, use_tc_tiling_on_sc=True),
            scratch_types=[
                pltpu.VMEM((CHUNK_R, COLS), jnp.float32),
                pltpu.VMEM((CHUNK_R, COLS), jnp.float32),
                pltpu.VMEM((hsz,), jnp.int32),
                pltpu.VMEM((8, L), jnp.int32),
                pltpu.SemaphoreType.DMA,
                pltpu.SemaphoreType.DMA,
            ],
        )
        def _sc_refine(x_hbm, pf_hbm, out_hbm, b0, b1, hist, pfv, s0, s1):
            wid = lax.axis_index("s") * NC + lax.axis_index("c")
            base = wid * ROWS_PT

            _prime(x_hbm, base, b0, b1, s0, s1)
            pltpu.sync_copy(pf_hbm, pfv)
            pfx_lo = pfv[0]
            pfx_hi = pfv[1]

            zeros = jnp.zeros((L,), jnp.int32)
            def zbody(i, _):
                hist[pl.ds(i * L, L)] = zeros
                return 0
            lax.fori_loop(0, hsz // L, zbody, 0)

            ones = jnp.ones((L,), jnp.int32)
            cmask = jnp.full((L,), np.int32(n - 1))
            coffs = jnp.full((L,), np.int32(n))
            cdump = jnp.full((L,), np.int32(2 * n))

            def process(buf):
                @functools.partial(
                    plsc.parallel_loop, 0, CHUNK // L, unroll=UNROLL)
                def vec_body(i):
                    r = lax.shift_right_logical(i, 7)
                    c = lax.bitwise_and(i, 127) * L
                    v = buf[r, pl.ds(c, L)]
                    u = plsc.bitcast(v, jnp.int32)
                    hi = lax.shift_right_logical(u, hi_shift)
                    low = lax.bitwise_and(
                        lax.shift_right_logical(u, lo_shift), cmask
                    )
                    b = jnp.where(
                        hi == pfx_lo,
                        low,
                        jnp.where(hi == pfx_hi, low + coffs, cdump),
                    )
                    plsc.addupdate_scatter(hist, [b], ones)

            _scan_chunks(x_hbm, base, b0, b1, s0, s1, process)
            pltpu.sync_copy(hist, out_hbm.at[wid])

        return _sc_refine

    return (_sc_pass1,
            _make_refine(32 - B1, 32 - B1 - B2, B2, 2 * (1 << B2) + L),
            _make_refine(B3, 0, B3, 2 * (1 << B3) + L))


def _scan2d(t, suffix=False):
    r, c = t.shape
    s = t
    sh = 1
    while sh < c:
        if suffix:
            shifted = jnp.concatenate(
                [s[:, sh:], jnp.zeros((r, sh), jnp.int32)], axis=1)
        else:
            shifted = jnp.concatenate(
                [jnp.zeros((r, sh), jnp.int32), s[:, : c - sh]], axis=1)
        s = s + shifted
        sh *= 2
    rt = s[:, 0:1] if suffix else s[:, c - 1 : c]
    o = rt
    sh = 1
    while sh < r:
        if suffix:
            shifted = jnp.concatenate(
                [o[sh:, :], jnp.zeros((sh, 1), jnp.int32)], axis=0)
        else:
            shifted = jnp.concatenate(
                [jnp.zeros((sh, 1), jnp.int32), o[: r - sh, :]], axis=0)
        o = o + shifted
        sh *= 2
    return s + (o - rt)


def _glue1_body(h_ref, o_ref):
    R1 = H1 // 128
    h = h_ref[...]
    t = jnp.sum(jnp.reshape(h, (NW, R1, 128)), axis=0)
    fi = (lax.broadcasted_iota(jnp.int32, (R1, 128), 0) * 128
          + lax.broadcasted_iota(jnp.int32, (R1, 128), 1))
    half = H1 // 2
    neg = fi >= half
    tpos = jnp.where(neg, 0, t)
    tneg = jnp.where(neg, t, 0)
    total_neg = jnp.sum(tneg)
    C = jnp.where(neg, _scan2d(tneg, suffix=True), _scan2d(tpos) + total_neg)

    def pick(k):
        b_ord = jnp.sum((C < k).astype(jnp.int32))
        cb = jnp.max(jnp.where(C < k, C, 0))
        raw = jnp.where(b_ord < half, H1 - 1 - b_ord, b_ord - half)
        return raw, cb

    p_lo, cb_lo = pick(K_LO)
    p_hi, cb_hi = pick(K_HI)
    z = jnp.zeros((L,), jnp.int32)
    o_ref[...] = jnp.stack([
        jnp.full((L,), p_lo), jnp.full((L,), p_hi),
        jnp.full((L,), cb_lo), jnp.full((L,), cb_hi),
        z, z, z, z,
    ])


_glue1 = pl.pallas_call(
    _glue1_body, out_shape=jax.ShapeDtypeStruct((8, L), jnp.int32)
)


def _region_pick(cnt, is_neg, kp, n):
    C = jnp.where(is_neg, _scan2d(cnt, suffix=True), _scan2d(cnt))
    b_ord = jnp.sum((C < kp).astype(jnp.int32))
    cb = jnp.max(jnp.where(C < kp, C, 0))
    raw = jnp.where(is_neg, n - 1 - b_ord, b_ord)
    return raw, cb


def _refine_pick(h, pf, sign_shift, bits):
    n = 1 << bits
    R = n // 128
    t = jnp.sum(
        jnp.reshape(h[:, : 2 * n], (NW, 2, R, 128)), axis=0)
    r_lo = t[0]
    r_hi = t[1]

    pfx_lo = pf[0, 0]
    pfx_hi = pf[1, 0]
    cb1_lo = pf[2, 0]
    cb1_hi = pf[3, 0]
    r_hi = jnp.where(pfx_lo == pfx_hi, r_lo, r_hi)
    neg_lo = lax.shift_right_logical(pfx_lo, sign_shift) == 1
    neg_hi = lax.shift_right_logical(pfx_hi, sign_shift) == 1

    b_lo, cb2_lo = _region_pick(r_lo, neg_lo, K_LO - cb1_lo, n)
    b_hi, cb2_hi = _region_pick(r_hi, neg_hi, K_HI - cb1_hi, n)
    npfx_lo = lax.shift_left(pfx_lo, bits) | b_lo
    npfx_hi = lax.shift_left(pfx_hi, bits) | b_hi
    return npfx_lo, npfx_hi, cb1_lo + cb2_lo, cb1_hi + cb2_hi


def _glue2_body(h_ref, pf_ref, o_ref):
    npfx_lo, npfx_hi, ncb_lo, ncb_hi = _refine_pick(
        h_ref[...], pf_ref[...], sign_shift=B1 - 1, bits=B2)
    z = jnp.zeros((L,), jnp.int32)
    o_ref[...] = jnp.stack([
        jnp.full((L,), npfx_lo), jnp.full((L,), npfx_hi),
        jnp.full((L,), ncb_lo), jnp.full((L,), ncb_hi),
        z, z, z, z,
    ])


_glue2 = pl.pallas_call(
    _glue2_body, out_shape=jax.ShapeDtypeStruct((8, L), jnp.int32)
)


def _glue3_body(h_ref, pf_ref, w_ref, o_ref):
    key_lo, key_hi, _, _ = _refine_pick(
        h_ref[...], pf_ref[...], sign_shift=B1 + B2 - 1, bits=B3)

    lower_val = lax.bitcast_convert_type(key_lo, jnp.float32)
    upper_val = lax.bitcast_convert_type(key_hi, jnp.float32)

    w = w_ref[...]
    n = jnp.float32(w.size)
    w_abs_mean = jnp.sum(jnp.abs(w)) / n
    w_std = jnp.sqrt(jnp.sum(w * w) / n)
    w_clip = jnp.float32(-12.8) * w_abs_mean + jnp.float32(12.68) * w_std

    row = lax.broadcasted_iota(jnp.int32, (8, 128), 0)
    col = lax.broadcasted_iota(jnp.int32, (8, 128), 1)
    vals = jnp.where(
        col == 0, upper_val, jnp.where(col == 1, lower_val, w_clip)
    )
    o_ref[...] = jnp.where((row == 0) & (col < 3), vals, 0.0)


_glue3 = pl.pallas_call(
    _glue3_body, out_shape=jax.ShapeDtypeStruct((8, 128), jnp.float32)
)


def kernel(x, weight):
    _sc_pass1, _sc_pass2, _sc_pass3 = _build_sc_kernels()
    xf = jnp.reshape(x, (ROWS, COLS))
    h1 = _sc_pass1(xf)
    pf1 = _glue1(h1)
    h2 = _sc_pass2(xf, pf1)
    pf2 = _glue2(h2, pf1)
    h3 = _sc_pass3(xf, pf2)
    o = _glue3(h3, pf2, weight)
    return o[0, :3]

# --- scband reference (transcript-rebuilt; emitter-appended) ---
"""Pipeline reference for scband-observer-percentile-1803886264396 (READ-ONLY COPY).

The authoritative reference and input builder live on the scoring server;
editing this copy changes nothing except your own understanding.
"""

import jax, jax.numpy as jnp
import numpy as np

PER_LOW = 0.1 * 0.01   # percentile[0] * 0.01
PER_HIGH = 99.9 * 0.01  # percentile[1] * 0.01


def setup_inputs(seed: int = 0) -> dict:
    key = jax.random.key(seed)
    k1, k2 = jax.random.split(key)
    x = jax.random.normal(k1, (2, 4096, 2048), dtype=jnp.float32)
    weight = jax.random.normal(k2, (2048, 2048), dtype=jnp.float32) * 0.02
    return {"x": x, "weight": weight}


def reference(x, weight):
    # --- activation percentile observation (a_init_method='percentile', asymmetric) ---
    flat = jnp.sort(jnp.reshape(x, (-1,)))  # kthvalue == sorted[k-1] (1-indexed k)
    nelem = flat.shape[0]
    lower_k = int(PER_LOW * nelem)
    if lower_k > 0:
        lower_per_cur = flat[lower_k - 1]
    else:
        lower_per_cur = flat[0]  # x.min()
    upper_k = int(PER_HIGH * nelem)
    upper_per_cur = flat[upper_k - 1]
    # batch_tracked == 0 -> running average degenerates to current value
    batch_tracked = 0.0
    obsrv_clipval = (jnp.zeros(()) * batch_tracked + upper_per_cur) / (batch_tracked + 1.0)
    obsrv_clipvaln = (jnp.zeros(()) * batch_tracked + lower_per_cur) / (batch_tracked + 1.0)
    # --- weight clipval via SAWB (w_init_method='sawb', first batch only) ---
    w_abs_mean = jnp.mean(jnp.abs(weight))
    w_std_sawb = jnp.sqrt(jnp.mean(weight * weight))
    obsrv_w_clipval = -12.8 * w_abs_mean + 12.68 * w_std_sawb
    return jnp.stack([obsrv_clipval, obsrv_clipvaln, obsrv_w_clipval])

if __name__ == "__main__":
    import jax
    _d = setup_inputs()
    print(jax.jit(kernel)(*tuple(_d.values())))

</pallas_src>

<mosaic_0001>
#map = affine_map<(d0, d1) -> (0, 0)>
module attributes {stable_mosaic.version = 14 : i64} {
  func.func @_sc_refine(%arg0: i32, %arg1: i32, %arg2: memref<8192x2048xf32, #tpu.memory_space<hbm>>, %arg3: memref<8x16xi32, #tpu.memory_space<hbm>>, %arg4: memref<32x1040xi32, #tpu.memory_space<hbm>>, %arg5: memref<16x2048xf32, #tpu.memory_space<vmem>>, %arg6: memref<16x2048xf32, #tpu.memory_space<vmem>>, %arg7: memref<1040xi32, #tpu.memory_space<vmem>>, %arg8: memref<8x16xi32, #tpu.memory_space<vmem>>, %arg9: memref<!tpu.dma_semaphore, #tpu.memory_space<semaphore_mem>>, %arg10: memref<!tpu.dma_semaphore, #tpu.memory_space<semaphore_mem>>) attributes {dimension_semantics = [#tpu.dimension_semantics<core_parallel>, #tpu.dimension_semantics<subcore_parallel>], iteration_bounds = array<i64: 2, 16>, scalar_prefetch = 0 : i64, scratch_operands = 6 : i64, tpu.core_type = #tpu.core_type<sc_vector_subcore>, window_params = [{transform_indices = #map}, {transform_indices = #map}, {transform_indices = #map}]} {
    %mul3A = arith.constant 2 : i32
    %mul3A_0 = arith.muli %arg1, %mul3A : i32
    %add3A = arith.addi %mul3A_0, %arg0 : i32
    %mul3A_1 = arith.constant 256 : i32
    %mul3A_2 = arith.muli %add3A, %mul3A_1 : i32
    %dma_start3A = arith.constant 0 : i32
    %dma_start3A_3 = tpu.memref_slice %arg2[%mul3A_2, %dma_start3A] : memref<8192x2048xf32, #tpu.memory_space<hbm>> -> memref<16x2048xf32, #tpu.memory_space<hbm>>
    %dma_start3A_4 = arith.constant 0 : i32
    %dma_start3A_5 = tpu.memref_slice %arg2[%mul3A_2, %dma_start3A_4] : memref<8192x2048xf32, #tpu.memory_space<hbm>> -> memref<16x2048xf32, #tpu.memory_space<hbm>>
    tpu.enqueue_dma source(%dma_start3A_5 : memref<16x2048xf32, #tpu.memory_space<hbm>>) target(%arg5 : memref<16x2048xf32, #tpu.memory_space<vmem>>) target_semaphore(%arg9 : memref<!tpu.dma_semaphore, #tpu.memory_space<semaphore_mem>>)
    %add3A_6 = arith.constant 16 : i32
    %add3A_7 = arith.addi %mul3A_2, %add3A_6 : i32
    %dma_start3A_8 = arith.constant 0 : i32
    %dma_start3A_9 = tpu.memref_slice %arg2[%add3A_7, %dma_start3A_8] : memref<8192x2048xf32, #tpu.memory_space<hbm>> -> memref<16x2048xf32, #tpu.memory_space<hbm>>
    %dma_start3A_10 = arith.constant 0 : i32
    %dma_start3A_11 = tpu.memref_slice %arg2[%add3A_7, %dma_start3A_10] : memref<8192x2048xf32, #tpu.memory_space<hbm>> -> memref<16x2048xf32, #tpu.memory_space<hbm>>
    tpu.enqueue_dma source(%dma_start3A_11 : memref<16x2048xf32, #tpu.memory_space<hbm>>) target(%arg6 : memref<16x2048xf32, #tpu.memory_space<vmem>>) target_semaphore(%arg10 : memref<!tpu.dma_semaphore, #tpu.memory_space<semaphore_mem>>)
    "tpu.region"() ({
      %run_scoped3A = tpu.sem_alloc : memref<!tpu.dma_semaphore, #tpu.memory_space<semaphore_mem>>
      tpu.enqueue_dma source(%arg3 : memref<8x16xi32, #tpu.memory_space<hbm>>) target(%arg8 : memref<8x16xi32, #tpu.memory_space<vmem>>) target_semaphore(%run_scoped3A : memref<!tpu.dma_semaphore, #tpu.memory_space<semaphore_mem>>)
      tpu.wait_dma2 semaphore(%run_scoped3A : memref<!tpu.dma_semaphore, #tpu.memory_space<semaphore_mem>>) src(%arg3 : memref<8x16xi32, #tpu.memory_space<hbm>>) dst(%arg8 : memref<8x16xi32, #tpu.memory_space<vmem>>)
      tpu.yield
    }) : () -> ()
    %get3A = arith.constant 0 : i32
    %get3A_12 = arith.index_cast %get3A : i32 to index
    %get3A_13 = arith.constant 0 : index
    %get3A_14 = tpu.vector_load %arg8[%get3A_12, %get3A_13] {strides = array<i32>} : memref<8x16xi32, #tpu.memory_space<vmem>>, vector<16xi32>,
    %get3A_15 = arith.constant 1 : i32
    %get3A_16 = arith.index_cast %get3A_15 : i32 to index
    %get3A_17 = arith.constant 0 : index
    %get3A_18 = tpu.vector_load %arg8[%get3A_16, %get3A_17] {strides = array<i32>} : memref<8x16xi32, #tpu.memory_space<vmem>>, vector<16xi32>,
    %broadcast_in_dim3A = arith.constant 0 : i32
    %broadcast_in_dim3A_19 = vector.broadcast %broadcast_in_dim3A : i32 to vector<16xi32>
    %scan3A = arith.constant 0 : i32
    %scan3A_20 = arith.constant 0 : i32
    %scan3A_21 = arith.constant 65 : i32
    %scan3A_22 = arith.addi %scan3A_20, %scan3A_21 : i32
    %scan3A_23 = arith.constant 1 : i32
    %scan3A_24 = scf.for %scan3A_41 = %scan3A_20 to %scan3A_22 step %scan3A_23 iter_args(%scan3A_42 = %scan3A) -> (i32)  : i32 {
      %mul3A_43 = arith.constant 16 : i32
      %mul3A_44 = arith.muli %scan3A_41, %mul3A_43 : i32
      %swap3A = arith.index_cast %mul3A_44 : i32 to index
      %swap3A_45 = tpu.vector_load %arg7[%swap3A] {strides = array<i32>} : memref<1040xi32, #tpu.memory_space<vmem>>, vector<16xi32>,
      tpu.vector_store %arg7[%swap3A], %broadcast_in_dim3A_19 {strides = array<i32>} : memref<1040xi32, #tpu.memory_space<vmem>>, vector<16xi32>,
      %scan3A_46 = arith.constant 0 : i32
      scf.yield %scan3A_46 : i32
    }
    %scan3A_25 = arith.constant 65 : i32
    %broadcast_in_dim3A_26 = arith.constant 1 : i32
    %broadcast_in_dim3A_27 = vector.broadcast %broadcast_in_dim3A_26 : i32 to vector<16xi32>
    %broadcast_in_dim3A_28 = arith.constant 511 : i32
    %broadcast_in_dim3A_29 = vector.broadcast %broadcast_in_dim3A_28 : i32 to vector<16xi32>
    %broadcast_in_dim3A_30 = arith.constant 512 : i32
    %broadcast_in_dim3A_31 = vector.broadcast %broadcast_in_dim3A_30 : i32 to vector<16xi32>
    %broadcast_in_dim3A_32 = arith.constant 1024 : i32
    %broadcast_in_dim3A_33 = vector.broadcast %broadcast_in_dim3A_32 : i32 to vector<16xi32>
    %scan3A_34 = arith.constant 0 : i32
    %scan3A_35 = arith.constant 0 : i32
    %scan3A_36 = arith.constant 8 : i32
    %scan3A_37 = arith.addi %scan3A_35, %scan3A_36 : i32
    %scan3A_38 = arith.constant 1 : i32
    %scan3A_39 = scf.for %scan3A_41 = %scan3A_35 to %scan3A_37 step %scan3A_38 iter_args(%scan3A_42 = %scan3A_34) -> (i32)  : i32 {
      %mul3A_43 = arith.constant 2 : i32
      %mul3A_44 = arith.muli %mul3A_43, %scan3A_41 : i32
      %mul3A_45 = arith.constant 16 : i32
      %mul3A_46 = arith.muli %mul3A_44, %mul3A_45 : i32
      %add3A_47 = arith.addi %mul3A_2, %mul3A_46 : i32
      %dma_wait3A = arith.constant 0 : i32
      %dma_wait3A_48 = tpu.memref_slice %arg2[%mul3A_2, %dma_wait3A] : memref<8192x2048xf32, #tpu.memory_space<hbm>> -> memref<16x2048xf32, #tpu.memory_space<hbm>>
      %dma_wait3A_49 = arith.constant 0 : i32
      %dma_wait3A_50 = tpu.memref_slice %arg2[%mul3A_2, %dma_wait3A_49] : memref<8192x2048xf32, #tpu.memory_space<hbm>> -> memref<16x2048xf32, #tpu.memory_space<hbm>>
      tpu.wait_dma2 semaphore(%arg9 : memref<!tpu.dma_semaphore, #tpu.memory_space<semaphore_mem>>) src(%dma_wait3A_50 : memref<16x2048xf32, #tpu.memory_space<hbm>>) dst(%arg5 : memref<16x2048xf32, #tpu.memory_space<vmem>>)
      %lt3A = arith.constant 7 : i32
      %lt3A_51 = arith.cmpi slt, %scan3A_41, %lt3A : i32
      %convert_element_type3A = arith.extui %lt3A_51 : i1 to i32
      %cond3A = arith.constant 0 : i32
      %cond3A_52 = arith.cmpi ne, %convert_element_type3A, %cond3A : i32
      scf.if %cond3A_52 {
        %add3A_63 = arith.constant 32 : i32
        %add3A_64 = arith.addi %add3A_47, %add3A_63 : i32
        %dma_start3A_65 = arith.constant 0 : i32
        %dma_start3A_66 = tpu.memref_slice %arg2[%add3A_64, %dma_start3A_65] : memref<8192x2048xf32, #tpu.memory_space<hbm>> -> memref<16x2048xf32, #tpu.memory_space<hbm>>
        %dma_start3A_67 = arith.constant 0 : i32
        %dma_start3A_68 = tpu.memref_slice %arg2[%add3A_64, %dma_start3A_67] : memref<8192x2048xf32, #tpu.memory_space<hbm>> -> memref<16x2048xf32, #tpu.memory_space<hbm>>
        tpu.enqueue_dma source(%dma_start3A_68 : memref<16x2048xf32, #tpu.memory_space<hbm>>) target(%arg5 : memref<16x2048xf32, #tpu.memory_space<vmem>>) target_semaphore(%arg9 : memref<!tpu.dma_semaphore, #tpu.memory_space<semaphore_mem>>)
      } else {
      }
      %dma_wait3A_53 = arith.constant 0 : i32
      %dma_wait3A_54 = tpu.memref_slice %arg2[%mul3A_2, %dma_wait3A_53] : memref<8192x2048xf32, #tpu.memory_space<hbm>> -> memref<16x2048xf32, #tpu.memory_space<hbm>>
      %dma_wait3A_55 = arith.constant 0 : i32
      %dma_wait3A_56 = tpu.memref_slice %arg2[%mul3A_2, %dma_wait3A_55] : memref<8192x2048xf32, #tpu.memory_space<hbm>> -> memref<16x2048xf32, #tpu.memory_space<hbm>>
      tpu.wait_dma2 semaphore(%arg10 : memref<!tpu.dma_semaphore, #tpu.memory_space<semaphore_mem>>) src(%dma_wait3A_56 : memref<16x2048xf32, #tpu.memory_space<hbm>>) dst(%arg6 : memref<16x2048xf32, #tpu.memory_space<vmem>>)
      %lt3A_57 = arith.constant 7 : i32
      %lt3A_58 = arith.cmpi slt, %scan3A_41, %lt3A_57 : i32
      %convert_element_type3A_59 = arith.extui %lt3A_58 : i1 to i32
      %cond3A_60 = arith.constant 0 : i32
      %cond3A_61 = arith.cmpi ne, %convert_element_type3A_59, %cond3A_60 : i32
      scf.if %cond3A_61 {
        %add3A_63 = arith.constant 48 : i32
        %add3A_64 = arith.addi %add3A_47, %add3A_63 : i32
        %dma_start3A_65 = arith.constant 0 : i32
        %dma_start3A_66 = tpu.memref_slice %arg2[%add3A_64, %dma_start3A_65] : memref<8192x2048xf32, #tpu.memory_space<hbm>> -> memref<16x2048xf32, #tpu.memory_space<hbm>>
        %dma_start3A_67 = arith.constant 0 : i32
        %dma_start3A_68 = tpu.memref_slice %arg2[%add3A_64, %dma_start3A_67] : memref<8192x2048xf32, #tpu.memory_space<hbm>> -> memref<16x2048xf32, #tpu.memory_space<hbm>>
        tpu.enqueue_dma source(%dma_start3A_68 : memref<16x2048xf32, #tpu.memory_space<hbm>>) target(%arg6 : memref<16x2048xf32, #tpu.memory_space<vmem>>) target_semaphore(%arg10 : memref<!tpu.dma_semaphore, #tpu.memory_space<semaphore_mem>>)
      } else {
      }
      %scan3A_62 = arith.constant 0 : i32
      scf.yield %scan3A_62 : i32
    }
    %scan3A_40 = arith.constant 8 : i32
    "tpu.region"() ({
      %run_scoped3A = tpu.sem_alloc : memref<!tpu.dma_semaphore, #tpu.memory_space<semaphore_mem>>
      %dma_start3A_41 = arith.constant 0 : i32
      %dma_start3A_42 = tpu.memref_slice %arg4[%add3A, %dma_start3A_41] : memref<32x1040xi32, #tpu.memory_space<hbm>> -> memref<1x1040xi32, #tpu.memory_space<hbm>>
      %dma_start3A_43 = tpu.memref_squeeze %dma_start3A_42 : memref<1x1040xi32, #tpu.memory_space<hbm>> -> memref<1040xi32, #tpu.memory_space<hbm>>
      %dma_start3A_44 = arith.constant 0 : i32
      %dma_start3A_45 = tpu.memref_slice %arg4[%add3A, %dma_start3A_44] : memref<32x1040xi32, #tpu.memory_space<hbm>> -> memref<1x1040xi32, #tpu.memory_space<hbm>>
      %dma_start3A_46 = tpu.memref_squeeze %dma_start3A_45 : memref<1x1040xi32, #tpu.memory_space<hbm>> -> memref<1040xi32, #tpu.memory_space<hbm>>
      tpu.enqueue_dma source(%arg7 : memref<1040xi32, #tpu.memory_space<vmem>>) target(%dma_start3A_46 : memref<1040xi32, #tpu.memory_space<hbm>>) target_semaphore(%run_scoped3A : memref<!tpu.dma_semaphore, #tpu.memory_space<semaphore_mem>>)
      %dma_wait3A = arith.constant 0 : i32
      %dma_wait3A_47 = tpu.memref_slice %arg4[%add3A, %dma_wait3A] : memref<32x1040xi32, #tpu.memory_space<hbm>> -> memref<1x1040xi32, #tpu.memory_space<hbm>>
      %dma_wait3A_48 = tpu.memref_squeeze %dma_wait3A_47 : memref<1x1040xi32, #tpu.memory_space<hbm>> -> memref<1040xi32, #tpu.memory_space<hbm>>
      %dma_wait3A_49 = arith.constant 0 : i32
      %dma_wait3A_50 = tpu.memref_slice %arg4[%add3A, %dma_wait3A_49] : memref<32x1040xi32, #tpu.memory_space<hbm>> -> memref<1x1040xi32, #tpu.memory_space<hbm>>
      %dma_wait3A_51 = tpu.memref_squeeze %dma_wait3A_50 : memref<1x1040xi32, #tpu.memory_space<hbm>> -> memref<1040xi32, #tpu.memory_space<hbm>>
      tpu.wait_dma2 semaphore(%run_scoped3A : memref<!tpu.dma_semaphore, #tpu.memory_space<semaphore_mem>>) src(%arg7 : memref<1040xi32, #tpu.memory_space<vmem>>) dst(%dma_wait3A_51 : memref<1040xi32, #tpu.memory_space<hbm>>)
      tpu.yield
    }) : () -> ()
    return
  }
}

#map = affine_map<(d0, d1) -> (0, 0)>
module attributes {stable_mosaic.version = 14 : i64} {
  func.func @_sc_refine(%arg0: i32, %arg1: i32, %arg2: memref<8192x2048xf32, #tpu.memory_space<hbm>>, %arg3: memref<8x16xi32, #tpu.memory_space<hbm>>, %arg4: memref<32x2064xi32, #tpu.memory_space<hbm>>, %arg5: memref<16x2048xf32, #tpu.memory_space<vmem>>, %arg6: memref<16x2048xf32, #tpu.memory_space<vmem>>, %arg7: memref<2064xi32, #tpu.memory_space<vmem>>, %arg8: memref<8x16xi32, #tpu.memory_space<vmem>>, %arg9: memref<!tpu.dma_semaphore, #tpu.memory_space<semaphore_mem>>, %arg10: memref<!tpu.dma_semaphore, #tpu.memory_space<semaphore_mem>>) attributes {dimension_semantics = [#tpu.dimension_semantics<core_parallel>, #tpu.dimension_semantics<subcore_parallel>], iteration_bounds = array<i64: 2, 16>, scalar_prefetch = 0 : i64, scratch_operands = 6 : i64, tpu.core_type = #tpu.core_type<sc_vector_subcore>, window_params = [{transform_indices = #map}, {transform_indices = #map}, {transform_indices = #map}]} {
    %mul3A = arith.constant 2 : i32
    %mul3A_0 = arith.muli %arg1, %mul3A : i32
    %add3A = arith.addi %mul3A_0, %arg0 : i32
    %mul3A_1 = arith.constant 256 : i32
    %mul3A_2 = arith.muli %add3A, %mul3A_1 : i32
    %dma_start3A = arith.constant 0 : i32
    %dma_start3A_3 = tpu.memref_slice %arg2[%mul3A_2, %dma_start3A] : memref<8192x2048xf32, #tpu.memory_space<hbm>> -> memref<16x2048xf32, #tpu.memory_space<hbm>>
    %dma_start3A_4 = arith.constant 0 : i32
    %dma_start3A_5 = tpu.memref_slice %arg2[%mul3A_2, %dma_start3A_4] : memref<8192x2048xf32, #tpu.memory_space<hbm>> -> memref<16x2048xf32, #tpu.memory_space<hbm>>
    tpu.enqueue_dma source(%dma_start3A_5 : memref<16x2048xf32, #tpu.memory_space<hbm>>) target(%arg5 : memref<16x2048xf32, #tpu.memory_space<vmem>>) target_semaphore(%arg9 : memref<!tpu.dma_semaphore, #tpu.memory_space<semaphore_mem>>)
    %add3A_6 = arith.constant 16 : i32
    %add3A_7 = arith.addi %mul3A_2, %add3A_6 : i32
    %dma_start3A_8 = arith.constant 0 : i32
    %dma_start3A_9 = tpu.memref_slice %arg2[%add3A_7, %dma_start3A_8] : memref<8192x2048xf32, #tpu.memory_space<hbm>> -> memref<16x2048xf32, #tpu.memory_space<hbm>>
    %dma_start3A_10 = arith.constant 0 : i32
    %dma_start3A_11 = tpu.memref_slice %arg2[%add3A_7, %dma_start3A_10] : memref<8192x2048xf32, #tpu.memory_space<hbm>> -> memref<16x2048xf32, #tpu.memory_space<hbm>>
    tpu.enqueue_dma source(%dma_start3A_11 : memref<16x2048xf32, #tpu.memory_space<hbm>>) target(%arg6 : memref<16x2048xf32, #tpu.memory_space<vmem>>) target_semaphore(%arg10 : memref<!tpu.dma_semaphore, #tpu.memory_space<semaphore_mem>>)
    "tpu.region"() ({
      %run_scoped3A = tpu.sem_alloc : memref<!tpu.dma_semaphore, #tpu.memory_space<semaphore_mem>>
      tpu.enqueue_dma source(%arg3 : memref<8x16xi32, #tpu.memory_space<hbm>>) target(%arg8 : memref<8x16xi32, #tpu.memory_space<vmem>>) target_semaphore(%run_scoped3A : memref<!tpu.dma_semaphore, #tpu.memory_space<semaphore_mem>>)
      tpu.wait_dma2 semaphore(%run_scoped3A : memref<!tpu.dma_semaphore, #tpu.memory_space<semaphore_mem>>) src(%arg3 : memref<8x16xi32, #tpu.memory_space<hbm>>) dst(%arg8 : memref<8x16xi32, #tpu.memory_space<vmem>>)
      tpu.yield
    }) : () -> ()
    %get3A = arith.constant 0 : i32
    %get3A_12 = arith.index_cast %get3A : i32 to index
    %get3A_13 = arith.constant 0 : index
    %get3A_14 = tpu.vector_load %arg8[%get3A_12, %get3A_13] {strides = array<i32>} : memref<8x16xi32, #tpu.memory_space<vmem>>, vector<16xi32>,
    %get3A_15 = arith.constant 1 : i32
    %get3A_16 = arith.index_cast %get3A_15 : i32 to index
    %get3A_17 = arith.constant 0 : index
    %get3A_18 = tpu.vector_load %arg8[%get3A_16, %get3A_17] {strides = array<i32>} : memref<8x16xi32, #tpu.memory_space<vmem>>, vector<16xi32>,
    %broadcast_in_dim3A = arith.constant 0 : i32
    %broadcast_in_dim3A_19 = vector.broadcast %broadcast_in_dim3A : i32 to vector<16xi32>
    %scan3A = arith.constant 0 : i32
    %scan3A_20 = arith.constant 0 : i32
    %scan3A_21 = arith.constant 129 : i32
    %scan3A_22 = arith.addi %scan3A_20, %scan3A_21 : i32
    %scan3A_23 = arith.constant 1 : i32
    %scan3A_24 = scf.for %scan3A_41 = %scan3A_20 to %scan3A_22 step %scan3A_23 iter_args(%scan3A_42 = %scan3A) -> (i32)  : i32 {
      %mul3A_43 = arith.constant 16 : i32
      %mul3A_44 = arith.muli %scan3A_41, %mul3A_43 : i32
      %swap3A = arith.index_cast %mul3A_44 : i32 to index
      %swap3A_45 = tpu.vector_load %arg7[%swap3A] {strides = array<i32>} : memref<2064xi32, #tpu.memory_space<vmem>>, vector<16xi32>,
      tpu.vector_store %arg7[%swap3A], %broadcast_in_dim3A_19 {strides = array<i32>} : memref<2064xi32, #tpu.memory_space<vmem>>, vector<16xi32>,
      %scan3A_46 = arith.constant 0 : i32
      scf.yield %scan3A_46 : i32
    }
    %scan3A_25 = arith.constant 129 : i32
    %broadcast_in_dim3A_26 = arith.constant 1 : i32
    %broadcast_in_dim3A_27 = vector.broadcast %broadcast_in_dim3A_26 : i32 to vector<16xi32>
    %broadcast_in_dim3A_28 = arith.constant 1023 : i32
    %broadcast_in_dim3A_29 = vector.broadcast %broadcast_in_dim3A_28 : i32 to vector<16xi32>
    %broadcast_in_dim3A_30 = arith.constant 1024 : i32
    %broadcast_in_dim3A_31 = vector.broadcast %broadcast_in_dim3A_30 : i32 to vector<16xi32>
    %broadcast_in_dim3A_32 = arith.constant 2048 : i32
    %broadcast_in_dim3A_33 = vector.broadcast %broadcast_in_dim3A_32 : i32 to vector<16xi32>
    %scan3A_34 = arith.constant 0 : i32
    %scan3A_35 = arith.constant 0 : i32
    %scan3A_36 = arith.constant 8 : i32
    %scan3A_37 = arith.addi %scan3A_35, %scan3A_36 : i32
    %scan3A_38 = arith.constant 1 : i32
    %scan3A_39 = scf.for %scan3A_41 = %scan3A_35 to %scan3A_37 step %scan3A_38 iter_args(%scan3A_42 = %scan3A_34) -> (i32)  : i32 {
      %mul3A_43 = arith.constant 2 : i32
      %mul3A_44 = arith.muli %mul3A_43, %scan3A_41 : i32
      %mul3A_45 = arith.constant 16 : i32
      %mul3A_46 = arith.muli %mul3A_44, %mul3A_45 : i32
      %add3A_47 = arith.addi %mul3A_2, %mul3A_46 : i32
      %dma_wait3A = arith.constant 0 : i32
      %dma_wait3A_48 = tpu.memref_slice %arg2[%mul3A_2, %dma_wait3A] : memref<8192x2048xf32, #tpu.memory_space<hbm>> -> memref<16x2048xf32, #tpu.memory_space<hbm>>
      %dma_wait3A_49 = arith.constant 0 : i32
      %dma_wait3A_50 = tpu.memref_slice %arg2[%mul3A_2, %dma_wait3A_49] : memref<8192x2048xf32, #tpu.memory_space<hbm>> -> memref<16x2048xf32, #tpu.memory_space<hbm>>
      tpu.wait_dma2 semaphore(%arg9 : memref<!tpu.dma_semaphore, #tpu.memory_space<semaphore_mem>>) src(%dma_wait3A_50 : memref<16x2048xf32, #tpu.memory_space<hbm>>) dst(%arg5 : memref<16x2048xf32, #tpu.memory_space<vmem>>)
      %lt3A = arith.constant 7 : i32
      %lt3A_51 = arith.cmpi slt, %scan3A_41, %lt3A : i32
      %convert_element_type3A = arith.extui %lt3A_51 : i1 to i32
      %cond3A = arith.constant 0 : i32
      %cond3A_52 = arith.cmpi ne, %convert_element_type3A, %cond3A : i32
      scf.if %cond3A_52 {
        %add3A_63 = arith.constant 32 : i32
        %add3A_64 = arith.addi %add3A_47, %add3A_63 : i32
        %dma_start3A_65 = arith.constant 0 : i32
        %dma_start3A_66 = tpu.memref_slice %arg2[%add3A_64, %dma_start3A_65] : memref<8192x2048xf32, #tpu.memory_space<hbm>> -> memref<16x2048xf32, #tpu.memory_space<hbm>>
        %dma_start3A_67 = arith.constant 0 : i32
        %dma_start3A_68 = tpu.memref_slice %arg2[%add3A_64, %dma_start3A_67] : memref<8192x2048xf32, #tpu.memory_space<hbm>> -> memref<16x2048xf32, #tpu.memory_space<hbm>>
        tpu.enqueue_dma source(%dma_start3A_68 : memref<16x2048xf32, #tpu.memory_space<hbm>>) target(%arg5 : memref<16x2048xf32, #tpu.memory_space<vmem>>) target_semaphore(%arg9 : memref<!tpu.dma_semaphore, #tpu.memory_space<semaphore_mem>>)
      } else {
      }
      %dma_wait3A_53 = arith.constant 0 : i32
      %dma_wait3A_54 = tpu.memref_slice %arg2[%mul3A_2, %dma_wait3A_53] : memref<8192x2048xf32, #tpu.memory_space<hbm>> -> memref<16x2048xf32, #tpu.memory_space<hbm>>
      %dma_wait3A_55 = arith.constant 0 : i32
      %dma_wait3A_56 = tpu.memref_slice %arg2[%mul3A_2, %dma_wait3A_55] : memref<8192x2048xf32, #tpu.memory_space<hbm>> -> memref<16x2048xf32, #tpu.memory_space<hbm>>
      tpu.wait_dma2 semaphore(%arg10 : memref<!tpu.dma_semaphore, #tpu.memory_space<semaphore_mem>>) src(%dma_wait3A_56 : memref<16x2048xf32, #tpu.memory_space<hbm>>) dst(%arg6 : memref<16x2048xf32, #tpu.memory_space<vmem>>)
      %lt3A_57 = arith.constant 7 : i32
      %lt3A_58 = arith.cmpi slt, %scan3A_41, %lt3A_57 : i32
      %convert_element_type3A_59 = arith.extui %lt3A_58 : i1 to i32
      %cond3A_60 = arith.constant 0 : i32
      %cond3A_61 = arith.cmpi ne, %convert_element_type3A_59, %cond3A_60 : i32
      scf.if %cond3A_61 {
        %add3A_63 = arith.constant 48 : i32
        %add3A_64 = arith.addi %add3A_47, %add3A_63 : i32
        %dma_start3A_65 = arith.constant 0 : i32
        %dma_start3A_66 = tpu.memref_slice %arg2[%add3A_64, %dma_start3A_65] : memref<8192x2048xf32, #tpu.memory_space<hbm>> -> memref<16x2048xf32, #tpu.memory_space<hbm>>
        %dma_start3A_67 = arith.constant 0 : i32
        %dma_start3A_68 = tpu.memref_slice %arg2[%add3A_64, %dma_start3A_67] : memref<8192x2048xf32, #tpu.memory_space<hbm>> -> memref<16x2048xf32, #tpu.memory_space<hbm>>
        tpu.enqueue_dma source(%dma_start3A_68 : memref<16x2048xf32, #tpu.memory_space<hbm>>) target(%arg6 : memref<16x2048xf32, #tpu.memory_space<vmem>>) target_semaphore(%arg10 : memref<!tpu.dma_semaphore, #tpu.memory_space<semaphore_mem>>)
      } else {
      }
      %scan3A_62 = arith.constant 0 : i32
      scf.yield %scan3A_62 : i32
    }
    %scan3A_40 = arith.constant 8 : i32
    "tpu.region"() ({
      %run_scoped3A = tpu.sem_alloc : memref<!tpu.dma_semaphore, #tpu.memory_space<semaphore_mem>>
      %dma_start3A_41 = arith.constant 0 : i32
      %dma_start3A_42 = tpu.memref_slice %arg4[%add3A, %dma_start3A_41] : memref<32x2064xi32, #tpu.memory_space<hbm>> -> memref<1x2064xi32, #tpu.memory_space<hbm>>
      %dma_start3A_43 = tpu.memref_squeeze %dma_start3A_42 : memref<1x2064xi32, #tpu.memory_space<hbm>> -> memref<2064xi32, #tpu.memory_space<hbm>>
      %dma_start3A_44 = arith.constant 0 : i32
      %dma_start3A_45 = tpu.memref_slice %arg4[%add3A, %dma_start3A_44] : memref<32x2064xi32, #tpu.memory_space<hbm>> -> memref<1x2064xi32, #tpu.memory_space<hbm>>
      %dma_start3A_46 = tpu.memref_squeeze %dma_start3A_45 : memref<1x2064xi32, #tpu.memory_space<hbm>> -> memref<2064xi32, #tpu.memory_space<hbm>>
      tpu.enqueue_dma source(%arg7 : memref<2064xi32, #tpu.memory_space<vmem>>) target(%dma_start3A_46 : memref<2064xi32, #tpu.memory_space<hbm>>) target_semaphore(%run_scoped3A : memref<!tpu.dma_semaphore, #tpu.memory_space<semaphore_mem>>)
      %dma_wait3A = arith.constant 0 : i32
      %dma_wait3A_47 = tpu.memref_slice %arg4[%add3A, %dma_wait3A] : memref<32x2064xi32, #tpu.memory_space<hbm>> -> memref<1x2064xi32, #tpu.memory_space<hbm>>
      %dma_wait3A_48 = tpu.memref_squeeze %dma_wait3A_47 : memref<1x2064xi32, #tpu.memory_space<hbm>> -> memref<2064xi32, #tpu.memory_space<hbm>>
      %dma_wait3A_49 = arith.constant 0 : i32
      %dma_wait3A_50 = tpu.memref_slice %arg4[%add3A, %dma_wait3A_49] : memref<32x2064xi32, #tpu.memory_space<hbm>> -> memref<1x2064xi32, #tpu.memory_space<hbm>>
      %dma_wait3A_51 = tpu.memref_squeeze %dma_wait3A_50 : memref<1x2064xi32, #tpu.memory_space<hbm>> -> memref<2064xi32, #tpu.memory_space<hbm>>
      tpu.wait_dma2 semaphore(%run_scoped3A : memref<!tpu.dma_semaphore, #tpu.memory_space<semaphore_mem>>) src(%arg7 : memref<2064xi32, #tpu.memory_space<vmem>>) dst(%dma_wait3A_51 : memref<2064xi32, #tpu.memory_space<hbm>>)
      tpu.yield
    }) : () -> ()
    return
  }
}

#map = affine_map<(d0, d1) -> (0, 0)>
module attributes {stable_mosaic.version = 14 : i64} {
  func.func @_sc_pass1(%arg0: i32, %arg1: i32, %arg2: memref<8192x2048xf32, #tpu.memory_space<hbm>>, %arg3: memref<32x8192xi32, #tpu.memory_space<hbm>>, %arg4: memref<16x2048xf32, #tpu.memory_space<vmem>>, %arg5: memref<16x2048xf32, #tpu.memory_space<vmem>>, %arg6: memref<8192xi32, #tpu.memory_space<vmem>>, %arg7: memref<!tpu.dma_semaphore, #tpu.memory_space<semaphore_mem>>, %arg8: memref<!tpu.dma_semaphore, #tpu.memory_space<semaphore_mem>>) attributes {dimension_semantics = [#tpu.dimension_semantics<core_parallel>, #tpu.dimension_semantics<subcore_parallel>], iteration_bounds = array<i64: 2, 16>, scalar_prefetch = 0 : i64, scratch_operands = 5 : i64, tpu.core_type = #tpu.core_type<sc_vector_subcore>, window_params = [{transform_indices = #map}, {transform_indices = #map}]} {
    %mul3A = arith.constant 2 : i32
    %mul3A_0 = arith.muli %arg1, %mul3A : i32
    %add3A = arith.addi %mul3A_0, %arg0 : i32
    %mul3A_1 = arith.constant 256 : i32
    %mul3A_2 = arith.muli %add3A, %mul3A_1 : i32
    %dma_start3A = arith.constant 0 : i32
    %dma_start3A_3 = tpu.memref_slice %arg2[%mul3A_2, %dma_start3A] : memref<8192x2048xf32, #tpu.memory_space<hbm>> -> memref<16x2048xf32, #tpu.memory_space<hbm>>
    %dma_start3A_4 = arith.constant 0 : i32
    %dma_start3A_5 = tpu.memref_slice %arg2[%mul3A_2, %dma_start3A_4] : memref<8192x2048xf32, #tpu.memory_space<hbm>> -> memref<16x2048xf32, #tpu.memory_space<hbm>>
    tpu.enqueue_dma source(%dma_start3A_5 : memref<16x2048xf32, #tpu.memory_space<hbm>>) target(%arg4 : memref<16x2048xf32, #tpu.memory_space<vmem>>) target_semaphore(%arg7 : memref<!tpu.dma_semaphore, #tpu.memory_space<semaphore_mem>>)
    %add3A_6 = arith.constant 16 : i32
    %add3A_7 = arith.addi %mul3A_2, %add3A_6 : i32
    %dma_start3A_8 = arith.constant 0 : i32
    %dma_start3A_9 = tpu.memref_slice %arg2[%add3A_7, %dma_start3A_8] : memref<8192x2048xf32, #tpu.memory_space<hbm>> -> memref<16x2048xf32, #tpu.memory_space<hbm>>
    %dma_start3A_10 = arith.constant 0 : i32
    %dma_start3A_11 = tpu.memref_slice %arg2[%add3A_7, %dma_start3A_10] : memref<8192x2048xf32, #tpu.memory_space<hbm>> -> memref<16x2048xf32, #tpu.memory_space<hbm>>
    tpu.enqueue_dma source(%dma_start3A_11 : memref<16x2048xf32, #tpu.memory_space<hbm>>) target(%arg5 : memref<16x2048xf32, #tpu.memory_space<vmem>>) target_semaphore(%arg8 : memref<!tpu.dma_semaphore, #tpu.memory_space<semaphore_mem>>)
    %broadcast_in_dim3A = arith.constant 0 : i32
    %broadcast_in_dim3A_12 = vector.broadcast %broadcast_in_dim3A : i32 to vector<16xi32>
    %scan3A = arith.constant 0 : i32
    %scan3A_13 = arith.constant 0 : i32
    %scan3A_14 = arith.constant 64 : i32
    %scan3A_15 = arith.addi %scan3A_13, %scan3A_14 : i32
    %scan3A_16 = arith.constant 1 : i32
    %scan3A_17 = scf.for %scan3A_28 = %scan3A_13 to %scan3A_15 step %scan3A_16 iter_args(%scan3A_29 = %scan3A) -> (i32)  : i32 {
      %mul3A_30 = arith.constant 128 : i32
      %mul3A_31 = arith.muli %scan3A_28, %mul3A_30 : i32
      %add3A_32 = arith.constant 0 : i32
      %add3A_33 = arith.addi %mul3A_31, %add3A_32 : i32
      %swap3A = arith.index_cast %add3A_33 : i32 to index
      %swap3A_34 = tpu.vector_load %arg6[%swap3A] {strides = array<i32>} : memref<8192xi32, #tpu.memory_space<vmem>>, vector<16xi32>,
      tpu.vector_store %arg6[%swap3A], %broadcast_in_dim3A_12 {strides = array<i32>} : memref<8192xi32, #tpu.memory_space<vmem>>, vector<16xi32>,
      %mul3A_35 = arith.constant 128 : i32
      %mul3A_36 = arith.muli %scan3A_28, %mul3A_35 : i32
      %add3A_37 = arith.constant 16 : i32
      %add3A_38 = arith.addi %mul3A_36, %add3A_37 : i32
      %swap3A_39 = arith.index_cast %add3A_38 : i32 to index
      %swap3A_40 = tpu.vector_load %arg6[%swap3A_39] {strides = array<i32>} : memref<8192xi32, #tpu.memory_space<vmem>>, vector<16xi32>,
      tpu.vector_store %arg6[%swap3A_39], %broadcast_in_dim3A_12 {strides = array<i32>} : memref<8192xi32, #tpu.memory_space<vmem>>, vector<16xi32>,
      %mul3A_41 = arith.constant 128 : i32
      %mul3A_42 = arith.muli %scan3A_28, %mul3A_41 : i32
      %add3A_43 = arith.constant 32 : i32
      %add3A_44 = arith.addi %mul3A_42, %add3A_43 : i32
      %swap3A_45 = arith.index_cast %add3A_44 : i32 to index
      %swap3A_46 = tpu.vector_load %arg6[%swap3A_45] {strides = array<i32>} : memref<8192xi32, #tpu.memory_space<vmem>>, vector<16xi32>,
      tpu.vector_store %arg6[%swap3A_45], %broadcast_in_dim3A_12 {strides = array<i32>} : memref<8192xi32, #tpu.memory_space<vmem>>, vector<16xi32>,
      %mul3A_47 = arith.constant 128 : i32
      %mul3A_48 = arith.muli %scan3A_28, %mul3A_47 : i32
      %add3A_49 = arith.constant 48 : i32
      %add3A_50 = arith.addi %mul3A_48, %add3A_49 : i32
      %swap3A_51 = arith.index_cast %add3A_50 : i32 to index
      %swap3A_52 = tpu.vector_load %arg6[%swap3A_51] {strides = array<i32>} : memref<8192xi32, #tpu.memory_space<vmem>>, vector<16xi32>,
      tpu.vector_store %arg6[%swap3A_51], %broadcast_in_dim3A_12 {strides = array<i32>} : memref<8192xi32, #tpu.memory_space<vmem>>, vector<16xi32>,
      %mul3A_53 = arith.constant 128 : i32
      %mul3A_54 = arith.muli %scan3A_28, %mul3A_53 : i32
      %add3A_55 = arith.constant 64 : i32
      %add3A_56 = arith.addi %mul3A_54, %add3A_55 : i32
      %swap3A_57 = arith.index_cast %add3A_56 : i32 to index
      %swap3A_58 = tpu.vector_load %arg6[%swap3A_57] {strides = array<i32>} : memref<8192xi32, #tpu.memory_space<vmem>>, vector<16xi32>,
      tpu.vector_store %arg6[%swap3A_57], %broadcast_in_dim3A_12 {strides = array<i32>} : memref<8192xi32, #tpu.memory_space<vmem>>, vector<16xi32>,
      %mul3A_59 = arith.constant 128 : i32
      %mul3A_60 = arith.muli %scan3A_28, %mul3A_59 : i32
      %add3A_61 = arith.constant 80 : i32
      %add3A_62 = arith.addi %mul3A_60, %add3A_61 : i32
      %swap3A_63 = arith.index_cast %add3A_62 : i32 to index
      %swap3A_64 = tpu.vector_load %arg6[%swap3A_63] {strides = array<i32>} : memref<8192xi32, #tpu.memory_space<vmem>>, vector<16xi32>,
      tpu.vector_store %arg6[%swap3A_63], %broadcast_in_dim3A_12 {strides = array<i32>} : memref<8192xi32, #tpu.memory_space<vmem>>, vector<16xi32>,
      %mul3A_65 = arith.constant 128 : i32
      %mul3A_66 = arith.muli %scan3A_28, %mul3A_65 : i32
      %add3A_67 = arith.constant 96 : i32
      %add3A_68 = arith.addi %mul3A_66, %add3A_67 : i32
      %swap3A_69 = arith.index_cast %add3A_68 : i32 to index
      %swap3A_70 = tpu.vector_load %arg6[%swap3A_69] {strides = array<i32>} : memref<8192xi32, #tpu.memory_space<vmem>>, vector<16xi32>,
      tpu.vector_store %arg6[%swap3A_69], %broadcast_in_dim3A_12 {strides = array<i32>} : memref<8192xi32, #tpu.memory_space<vmem>>, vector<16xi32>,
      %mul3A_71 = arith.constant 128 : i32
      %mul3A_72 = arith.muli %scan3A_28, %mul3A_71 : i32
      %add3A_73 = arith.constant 112 : i32
      %add3A_74 = arith.addi %mul3A_72, %add3A_73 : i32
      %swap3A_75 = arith.index_cast %add3A_74 : i32 to index
      %swap3A_76 = tpu.vector_load %arg6[%swap3A_75] {strides = array<i32>} : memref<8192xi32, #tpu.memory_space<vmem>>, vector<16xi32>,
      tpu.vector_store %arg6[%swap3A_75], %broadcast_in_dim3A_12 {strides = array<i32>} : memref<8192xi32, #tpu.memory_space<vmem>>, vector<16xi32>,
      %scan3A_77 = arith.constant 0 : i32
      scf.yield %scan3A_77 : i32
    }
    %scan3A_18 = arith.constant 64 : i32
    %broadcast_in_dim3A_19 = arith.constant 1 : i32
    %broadcast_in_dim3A_20 = vector.broadcast %broadcast_in_dim3A_19 : i32 to vector<16xi32>
    %scan3A_21 = arith.constant 0 : i32
    %scan3A_22 = arith.constant 0 : i32
    %scan3A_23 = arith.constant 8 : i32
    %scan3A_24 = arith.addi %scan3A_22, %scan3A_23 : i32
    %scan3A_25 = arith.constant 1 : i32
    %scan3A_26 = scf.for %scan3A_28 = %scan3A_22 to %scan3A_24 step %scan3A_25 iter_args(%scan3A_29 = %scan3A_21) -> (i32)  : i32 {
      %mul3A_30 = arith.constant 2 : i32
      %mul3A_31 = arith.muli %mul3A_30, %scan3A_28 : i32
      %mul3A_32 = arith.constant 16 : i32
      %mul3A_33 = arith.muli %mul3A_31, %mul3A_32 : i32
      %add3A_34 = arith.addi %mul3A_2, %mul3A_33 : i32
      %dma_wait3A = arith.constant 0 : i32
      %dma_wait3A_35 = tpu.memref_slice %arg2[%mul3A_2, %dma_wait3A] : memref<8192x2048xf32, #tpu.memory_space<hbm>> -> memref<16x2048xf32, #tpu.memory_space<hbm>>
      %dma_wait3A_36 = arith.constant 0 : i32
      %dma_wait3A_37 = tpu.memref_slice %arg2[%mul3A_2, %dma_wait3A_36] : memref<8192x2048xf32, #tpu.memory_space<hbm>> -> memref<16x2048xf32, #tpu.memory_space<hbm>>
      tpu.wait_dma2 semaphore(%arg7 : memref<!tpu.dma_semaphore, #tpu.memory_space<semaphore_mem>>) src(%dma_wait3A_37 : memref<16x2048xf32, #tpu.memory_space<hbm>>) dst(%arg4 : memref<16x2048xf32, #tpu.memory_space<vmem>>)
      %lt3A = arith.constant 7 : i32
      %lt3A_38 = arith.cmpi slt, %scan3A_28, %lt3A : i32
      %convert_element_type3A = arith.extui %lt3A_38 : i1 to i32
      %cond3A = arith.constant 0 : i32
      %cond3A_39 = arith.cmpi ne, %convert_element_type3A, %cond3A : i32
      scf.if %cond3A_39 {
        %add3A_50 = arith.constant 32 : i32
        %add3A_51 = arith.addi %add3A_34, %add3A_50 : i32
        %dma_start3A_52 = arith.constant 0 : i32
        %dma_start3A_53 = tpu.memref_slice %arg2[%add3A_51, %dma_start3A_52] : memref<8192x2048xf32, #tpu.memory_space<hbm>> -> memref<16x2048xf32, #tpu.memory_space<hbm>>
        %dma_start3A_54 = arith.constant 0 : i32
        %dma_start3A_55 = tpu.memref_slice %arg2[%add3A_51, %dma_start3A_54] : memref<8192x2048xf32, #tpu.memory_space<hbm>> -> memref<16x2048xf32, #tpu.memory_space<hbm>>
        tpu.enqueue_dma source(%dma_start3A_55 : memref<16x2048xf32, #tpu.memory_space<hbm>>) target(%arg4 : memref<16x2048xf32, #tpu.memory_space<vmem>>) target_semaphore(%arg7 : memref<!tpu.dma_semaphore, #tpu.memory_space<semaphore_mem>>)
      } else {
      }
      %dma_wait3A_40 = arith.constant 0 : i32
      %dma_wait3A_41 = tpu.memref_slice %arg2[%mul3A_2, %dma_wait3A_40] : memref<8192x2048xf32, #tpu.memory_space<hbm>> -> memref<16x2048xf32, #tpu.memory_space<hbm>>
      %dma_wait3A_42 = arith.constant 0 : i32
      %dma_wait3A_43 = tpu.memref_slice %arg2[%mul3A_2, %dma_wait3A_42] : memref<8192x2048xf32, #tpu.memory_space<hbm>> -> memref<16x2048xf32, #tpu.memory_space<hbm>>
      tpu.wait_dma2 semaphore(%arg8 : memref<!tpu.dma_semaphore, #tpu.memory_space<semaphore_mem>>) src(%dma_wait3A_43 : memref<16x2048xf32, #tpu.memory_space<hbm>>) dst(%arg5 : memref<16x2048xf32, #tpu.memory_space<vmem>>)
      %lt3A_44 = arith.constant 7 : i32
      %lt3A_45 = arith.cmpi slt, %scan3A_28, %lt3A_44 : i32
      %convert_element_type3A_46 = arith.extui %lt3A_45 : i1 to i32
      %cond3A_47 = arith.constant 0 : i32
      %cond3A_48 = arith.cmpi ne, %convert_element_type3A_46, %cond3A_47 : i32
      scf.if %cond3A_48 {
        %add3A_50 = arith.constant 48 : i32
        %add3A_51 = arith.addi %add3A_34, %add3A_50 : i32
        %dma_start3A_52 = arith.constant 0 : i32
        %dma_start3A_53 = tpu.memref_slice %arg2[%add3A_51, %dma_start3A_52] : memref<8192x2048xf32, #tpu.memory_space<hbm>> -> memref<16x2048xf32, #tpu.memory_space<hbm>>
        %dma_start3A_54 = arith.constant 0 : i32
        %dma_start3A_55 = tpu.memref_slice %arg2[%add3A_51, %dma_start3A_54] : memref<8192x2048xf32, #tpu.memory_space<hbm>> -> memref<16x2048xf32, #tpu.memory_space<hbm>>
        tpu.enqueue_dma source(%dma_start3A_55 : memref<16x2048xf32, #tpu.memory_space<hbm>>) target(%arg5 : memref<16x2048xf32, #tpu.memory_space<vmem>>) target_semaphore(%arg8 : memref<!tpu.dma_semaphore, #tpu.memory_space<semaphore_mem>>)
      } else {
      }
      %scan3A_49 = arith.constant 0 : i32
      scf.yield %scan3A_49 : i32
    }
    %scan3A_27 = arith.constant 8 : i32
    "tpu.region"() ({
      %run_scoped3A = tpu.sem_alloc : memref<!tpu.dma_semaphore, #tpu.memory_space<semaphore_mem>>
      %dma_start3A_28 = arith.constant 0 : i32
      %dma_start3A_29 = tpu.memref_slice %arg3[%add3A, %dma_start3A_28] : memref<32x8192xi32, #tpu.memory_space<hbm>> -> memref<1x8192xi32, #tpu.memory_space<hbm>>
      %dma_start3A_30 = tpu.memref_squeeze %dma_start3A_29 : memref<1x8192xi32, #tpu.memory_space<hbm>> -> memref<8192xi32, #tpu.memory_space<hbm>>
      %dma_start3A_31 = arith.constant 0 : i32
      %dma_start3A_32 = tpu.memref_slice %arg3[%add3A, %dma_start3A_31] : memref<32x8192xi32, #tpu.memory_space<hbm>> -> memref<1x8192xi32, #tpu.memory_space<hbm>>
      %dma_start3A_33 = tpu.memref_squeeze %dma_start3A_32 : memref<1x8192xi32, #tpu.memory_space<hbm>> -> memref<8192xi32, #tpu.memory_space<hbm>>
      tpu.enqueue_dma source(%arg6 : memref<8192xi32, #tpu.memory_space<vmem>>) target(%dma_start3A_33 : memref<8192xi32, #tpu.memory_space<hbm>>) target_semaphore(%run_scoped3A : memref<!tpu.dma_semaphore, #tpu.memory_space<semaphore_mem>>)
      %dma_wait3A = arith.constant 0 : i32
      %dma_wait3A_34 = tpu.memref_slice %arg3[%add3A, %dma_wait3A] : memref<32x8192xi32, #tpu.memory_space<hbm>> -> memref<1x8192xi32, #tpu.memory_space<hbm>>
      %dma_wait3A_35 = tpu.memref_squeeze %dma_wait3A_34 : memref<1x8192xi32, #tpu.memory_space<hbm>> -> memref<8192xi32, #tpu.memory_space<hbm>>
      %dma_wait3A_36 = arith.constant 0 : i32
      %dma_wait3A_37 = tpu.memref_slice %arg3[%add3A, %dma_wait3A_36] : memref<32x8192xi32, #tpu.memory_space<hbm>> -> memref<1x8192xi32, #tpu.memory_space<hbm>>
      %dma_wait3A_38 = tpu.memref_squeeze %dma_wait3A_37 : memref<1x8192xi32, #tpu.memory_space<hbm>> -> memref<8192xi32, #tpu.memory_space<hbm>>
      tpu.wait_dma2 semaphore(%run_scoped3A : memref<!tpu.dma_semaphore, #tpu.memory_space<semaphore_mem>>) src(%arg6 : memref<8192xi32, #tpu.memory_space<vmem>>) dst(%dma_wait3A_38 : memref<8192xi32, #tpu.memory_space<hbm>>)
      tpu.yield
    }) : () -> ()
    return
  }
}

module attributes {stable_mosaic.version = 14 : i64} {
  func.func @_glue1_body(%arg0: memref<32x8192xi32, #tpu.memory_space<vmem>>, %arg1: memref<8x16xi32, #tpu.memory_space<vmem>>) attributes {dimension_semantics = [], scalar_prefetch = 0 : i64, scratch_operands = 0 : i64, tpu.core_type = #tpu.core_type<tc>} {
    %get3A = arith.constant 0 : index
    %get3A_0 = arith.constant 0 : index
    %get3A_1 = vector.load %arg0[%get3A, %get3A_0] : memref<32x8192xi32, #tpu.memory_space<vmem>>, vector<32x8192xi32>
    %reshape3A = vector.shape_cast %get3A_1 : vector<32x8192xi32> to vector<32x64x128xi32>
    %reduce_sum3A = arith.constant dense<0> : vector<64x128xi32>
    %reduce_sum3A_2 = vector.multi_reduction <add>, %reshape3A, %reduce_sum3A [0] : vector<32x64x128xi32> to vector<64x128xi32>
    %iota3A = tpu.iota {dimensions = array<i32: 0>} : vector<64x128xi32>
    %mul3A = arith.constant 128 : i32
    %mul3A_3 = vector.broadcast %mul3A : i32 to vector<64x128xi32>
    %mul3A_4 = arith.muli %iota3A, %mul3A_3 : vector<64x128xi32>
    %iota3A_5 = tpu.iota {dimensions = array<i32: 1>} : vector<64x128xi32>
    %add3A = arith.addi %mul3A_4, %iota3A_5 : vector<64x128xi32>
    %ge3A = arith.constant 4096 : i32
    %ge3A_6 = vector.broadcast %ge3A : i32 to vector<64x128xi32>
    %ge3A_7 = arith.cmpi sge, %add3A, %ge3A_6 : vector<64x128xi32>
    %jit3A = arith.constant 0 : i32
    %broadcast_in_dim3A = vector.broadcast %jit3A : i32 to vector<64x128xi32>
    %select_n3A = arith.select %ge3A_7, %broadcast_in_dim3A, %reduce_sum3A_2 : vector<64x128xi1>, vector<64x128xi32>
    %jit3A_8 = arith.constant 0 : i32
    %broadcast_in_dim3A_9 = vector.broadcast %jit3A_8 : i32 to vector<64x128xi32>
    %select_n3A_10 = arith.select %ge3A_7, %reduce_sum3A_2, %broadcast_in_dim3A_9 : vector<64x128xi1>, vector<64x128xi32>
    %reduce_sum3A_11 = vector.shape_cast %select_n3A_10 : vector<64x128xi32> to vector<1x64x128xi32>
    %reduce_sum3A_12 = arith.constant dense<0> : vector<1xi32>
    %reduce_sum3A_13 = vector.multi_reduction <add>, %reduce_sum3A_11, %reduce_sum3A_12 [1, 2] : vector<1x64x128xi32> to vector<1xi32>
    %reduce_sum3A_14 = vector.shape_cast %reduce_sum3A_13 : vector<1xi32> to vector<1x1x1xi32>
    %reduce_sum3A_15 = vector.extract %reduce_sum3A_14[0, 0, 0] : i32 from vector<1x1x1xi32>
    %slice3A = vector.extract_strided_slice %select_n3A_10 {offsets = [0, 1], sizes = [64, 127], strides = [1, 1]} : vector<64x128xi32> to vector<64x127xi32>
    %broadcast_in_dim3A_16 = arith.constant 0 : i32
    %broadcast_in_dim3A_17 = vector.broadcast %broadcast_in_dim3A_16 : i32 to vector<64x1xi32>
    %concatenate3A = tpu.concatenate %slice3A, %broadcast_in_dim3A_17 in 1 : vector<64x127xi32>, vector<64x1xi32> -> vector<64x128xi32>
    %add3A_18 = arith.addi %select_n3A_10, %concatenate3A : vector<64x128xi32>
    %slice3A_19 = vector.extract_strided_slice %add3A_18 {offsets = [0, 2], sizes = [64, 126], strides = [1, 1]} : vector<64x128xi32> to vector<64x126xi32>
    %broadcast_in_dim3A_20 = arith.constant 0 : i32
    %broadcast_in_dim3A_21 = vector.broadcast %broadcast_in_dim3A_20 : i32 to vector<64x2xi32>
    %concatenate3A_22 = tpu.concatenate %slice3A_19, %broadcast_in_dim3A_21 in 1 : vector<64x126xi32>, vector<64x2xi32> -> vector<64x128xi32>
    %add3A_23 = arith.addi %add3A_18, %concatenate3A_22 : vector<64x128xi32>
    %slice3A_24 = vector.extract_strided_slice %add3A_23 {offsets = [0, 4], sizes = [64, 124], strides = [1, 1]} : vector<64x128xi32> to vector<64x124xi32>
    %broadcast_in_dim3A_25 = arith.constant 0 : i32
    %broadcast_in_dim3A_26 = vector.broadcast %broadcast_in_dim3A_25 : i32 to vector<64x4xi32>
    %concatenate3A_27 = tpu.concatenate %slice3A_24, %broadcast_in_dim3A_26 in 1 : vector<64x124xi32>, vector<64x4xi32> -> vector<64x128xi32>
    %add3A_28 = arith.addi %add3A_23, %concatenate3A_27 : vector<64x128xi32>
    %slice3A_29 = vector.extract_strided_slice %add3A_28 {offsets = [0, 8], sizes = [64, 120], strides = [1, 1]} : vector<64x128xi32> to vector<64x120xi32>
    %broadcast_in_dim3A_30 = arith.constant 0 : i32
    %broadcast_in_dim3A_31 = vector.broadcast %broadcast_in_dim3A_30 : i32 to vector<64x8xi32>
    %concatenate3A_32 = tpu.concatenate %slice3A_29, %broadcast_in_dim3A_31 in 1 : vector<64x120xi32>, vector<64x8xi32> -> vector<64x128xi32>
    %add3A_33 = arith.addi %add3A_28, %concatenate3A_32 : vector<64x128xi32>
    %slice3A_34 = vector.extract_strided_slice %add3A_33 {offsets = [0, 16], sizes = [64, 112], strides = [1, 1]} : vector<64x128xi32> to vector<64x112xi32>
    %broadcast_in_dim3A_35 = arith.constant 0 : i32
    %broadcast_in_dim3A_36 = vector.broadcast %broadcast_in_dim3A_35 : i32 to vector<64x16xi32>
    %concatenate3A_37 = tpu.concatenate %slice3A_34, %broadcast_in_dim3A_36 in 1 : vector<64x112xi32>, vector<64x16xi32> -> vector<64x128xi32>
    %add3A_38 = arith.addi %add3A_33, %concatenate3A_37 : vector<64x128xi32>
    %slice3A_39 = vector.extract_strided_slice %add3A_38 {offsets = [0, 32], sizes = [64, 96], strides = [1, 1]} : vector<64x128xi32> to vector<64x96xi32>
    %broadcast_in_dim3A_40 = arith.constant 0 : i32
    %broadcast_in_dim3A_41 = vector.broadcast %broadcast_in_dim3A_40 : i32 to vector<64x32xi32>
    %concatenate3A_42 = tpu.concatenate %slice3A_39, %broadcast_in_dim3A_41 in 1 : vector<64x96xi32>, vector<64x32xi32> -> vector<64x128xi32>
    %add3A_43 = arith.addi %add3A_38, %concatenate3A_42 : vector<64x128xi32>
    %slice3A_44 = vector.extract_strided_slice %add3A_43 {offsets = [0, 64], sizes = [64, 64], strides = [1, 1]} : vector<64x128xi32> to vector<64x64xi32>
    %broadcast_in_dim3A_45 = arith.constant 0 : i32
    %broadcast_in_dim3A_46 = vector.broadcast %broadcast_in_dim3A_45 : i32 to vector<64x64xi32>
    %concatenate3A_47 = tpu.concatenate %slice3A_44, %broadcast_in_dim3A_46 in 1 : vector<64x64xi32>, vector<64x64xi32> -> vector<64x128xi32>
    %add3A_48 = arith.addi %add3A_43, %concatenate3A_47 : vector<64x128xi32>
    %slice3A_49 = vector.extract_strided_slice %add3A_48 {offsets = [0, 0], sizes = [64, 1], strides = [1, 1]} : vector<64x128xi32> to vector<64x1xi32>
    %slice3A_50 = vector.extract_strided_slice %slice3A_49 {offsets = [1, 0], sizes = [63, 1], strides = [1, 1]} : vector<64x1xi32> to vector<63x1xi32>
    %broadcast_in_dim3A_51 = arith.constant 0 : i32
    %broadcast_in_dim3A_52 = vector.broadcast %broadcast_in_dim3A_51 : i32 to vector<1x1xi32>
    %concatenate3A_53 = tpu.concatenate %slice3A_50, %broadcast_in_dim3A_52 in 0 : vector<63x1xi32>, vector<1x1xi32> -> vector<64x1xi32>
    %add3A_54 = arith.addi %slice3A_49, %concatenate3A_53 : vector<64x1xi32>
    %slice3A_55 = vector.extract_strided_slice %add3A_54 {offsets = [2, 0], sizes = [62, 1], strides = [1, 1]} : vector<64x1xi32> to vector<62x1xi32>
    %broadcast_in_dim3A_56 = arith.constant 0 : i32
    %broadcast_in_dim3A_57 = vector.broadcast %broadcast_in_dim3A_56 : i32 to vector<2x1xi32>
    %concatenate3A_58 = tpu.concatenate %slice3A_55, %broadcast_in_dim3A_57 in 0 : vector<62x1xi32>, vector<2x1xi32> -> vector<64x1xi32>
    %add3A_59 = arith.addi %add3A_54, %concatenate3A_58 : vector<64x1xi32>
    %slice3A_60 = vector.extract_strided_slice %add3A_59 {offsets = [4, 0], sizes = [60, 1], strides = [1, 1]} : vector<64x1xi32> to vector<60x1xi32>
    %broadcast_in_dim3A_61 = arith.constant 0 : i32
    %broadcast_in_dim3A_62 = vector.broadcast %broadcast_in_dim3A_61 : i32 to vector<4x1xi32>
    %concatenate3A_63 = tpu.concatenate %slice3A_60, %broadcast_in_dim3A_62 in 0 : vector<60x1xi32>, vector<4x1xi32> -> vector<64x1xi32>
    %add3A_64 = arith.addi %add3A_59, %concatenate3A_63 : vector<64x1xi32>
    %slice3A_65 = vector.extract_strided_slice %add3A_64 {offsets = [8, 0], sizes = [56, 1], strides = [1, 1]} : vector<64x1xi32> to vector<56x1xi32>
    %broadcast_in_dim3A_66 = arith.constant 0 : i32
    %broadcast_in_dim3A_67 = vector.broadcast %broadcast_in_dim3A_66 : i32 to vector<8x1xi32>
    %concatenate3A_68 = tpu.concatenate %slice3A_65, %broadcast_in_dim3A_67 in 0 : vector<56x1xi32>, vector<8x1xi32> -> vector<64x1xi32>
    %add3A_69 = arith.addi %add3A_64, %concatenate3A_68 : vector<64x1xi32>
    %slice3A_70 = vector.extract_strided_slice %add3A_69 {offsets = [16, 0], sizes = [48, 1], strides = [1, 1]} : vector<64x1xi32> to vector<48x1xi32>
    %broadcast_in_dim3A_71 = arith.constant 0 : i32
    %broadcast_in_dim3A_72 = vector.broadcast %broadcast_in_dim3A_71 : i32 to vector<16x1xi32>
    %concatenate3A_73 = tpu.concatenate %slice3A_70, %broadcast_in_dim3A_72 in 0 : vector<48x1xi32>, vector<16x1xi32> -> vector<64x1xi32>
    %add3A_74 = arith.addi %add3A_69, %concatenate3A_73 : vector<64x1xi32>
    %slice3A_75 = vector.extract_strided_slice %add3A_74 {offsets = [32, 0], sizes = [32, 1], strides = [1, 1]} : vector<64x1xi32> to vector<32x1xi32>
    %broadcast_in_dim3A_76 = arith.constant 0 : i32
    %broadcast_in_dim3A_77 = vector.broadcast %broadcast_in_dim3A_76 : i32 to vector<32x1xi32>
    %concatenate3A_78 = tpu.concatenate %slice3A_75, %broadcast_in_dim3A_77 in 0 : vector<32x1xi32>, vector<32x1xi32> -> vector<64x1xi32>
    %add3A_79 = arith.addi %add3A_74, %concatenate3A_78 : vector<64x1xi32>
    %sub3A = arith.subi %add3A_79, %slice3A_49 : vector<64x1xi32>
    %add3A_80 = vector.broadcast %sub3A : vector<64x1xi32> to vector<64x128xi32>
    %add3A_81 = arith.addi %add3A_48, %add3A_80 : vector<64x128xi32>
    %broadcast_in_dim3A_82 = arith.constant 0 : i32
    %broadcast_in_dim3A_83 = vector.broadcast %broadcast_in_dim3A_82 : i32 to vector<64x1xi32>
    %slice3A_84 = vector.extract_strided_slice %select_n3A {offsets = [0, 0], sizes = [64, 127], strides = [1, 1]} : vector<64x128xi32> to vector<64x127xi32>
    %concatenate3A_85 = tpu.concatenate %broadcast_in_dim3A_83, %slice3A_84 in 1 : vector<64x1xi32>, vector<64x127xi32> -> vector<64x128xi32>
    %add3A_86 = arith.addi %select_n3A, %concatenate3A_85 : vector<64x128xi32>
    %broadcast_in_dim3A_87 = arith.constant 0 : i32
    %broadcast_in_dim3A_88 = vector.broadcast %broadcast_in_dim3A_87 : i32 to vector<64x2xi32>
    %slice3A_89 = vector.extract_strided_slice %add3A_86 {offsets = [0, 0], sizes = [64, 126], strides = [1, 1]} : vector<64x128xi32> to vector<64x126xi32>
    %concatenate3A_90 = tpu.concatenate %broadcast_in_dim3A_88, %slice3A_89 in 1 : vector<64x2xi32>, vector<64x126xi32> -> vector<64x128xi32>
    %add3A_91 = arith.addi %add3A_86, %concatenate3A_90 : vector<64x128xi32>
    %broadcast_in_dim3A_92 = arith.constant 0 : i32
    %broadcast_in_dim3A_93 = vector.broadcast %broadcast_in_dim3A_92 : i32 to vector<64x4xi32>
    %slice3A_94 = vector.extract_strided_slice %add3A_91 {offsets = [0, 0], sizes = [64, 124], strides = [1, 1]} : vector<64x128xi32> to vector<64x124xi32>
    %concatenate3A_95 = tpu.concatenate %broadcast_in_dim3A_93, %slice3A_94 in 1 : vector<64x4xi32>, vector<64x124xi32> -> vector<64x128xi32>
    %add3A_96 = arith.addi %add3A_91, %concatenate3A_95 : vector<64x128xi32>
    %broadcast_in_dim3A_97 = arith.constant 0 : i32
    %broadcast_in_dim3A_98 = vector.broadcast %broadcast_in_dim3A_97 : i32 to vector<64x8xi32>
    %slice3A_99 = vector.extract_strided_slice %add3A_96 {offsets = [0, 0], sizes = [64, 120], strides = [1, 1]} : vector<64x128xi32> to vector<64x120xi32>
    %concatenate3A_100 = tpu.concatenate %broadcast_in_dim3A_98, %slice3A_99 in 1 : vector<64x8xi32>, vector<64x120xi32> -> vector<64x128xi32>
    %add3A_101 = arith.addi %add3A_96, %concatenate3A_100 : vector<64x128xi32>
    %broadcast_in_dim3A_102 = arith.constant 0 : i32
    %broadcast_in_dim3A_103 = vector.broadcast %broadcast_in_dim3A_102 : i32 to vector<64x16xi32>
    %slice3A_104 = vector.extract_strided_slice %add3A_101 {offsets = [0, 0], sizes = [64, 112], strides = [1, 1]} : vector<64x128xi32> to vector<64x112xi32>
    %concatenate3A_105 = tpu.concatenate %broadcast_in_dim3A_103, %slice3A_104 in 1 : vector<64x16xi32>, vector<64x112xi32> -> vector<64x128xi32>
    %add3A_106 = arith.addi %add3A_101, %concatenate3A_105 : vector<64x128xi32>
    %broadcast_in_dim3A_107 = arith.constant 0 : i32
    %broadcast_in_dim3A_108 = vector.broadcast %broadcast_in_dim3A_107 : i32 to vector<64x32xi32>
    %slice3A_109 = vector.extract_strided_slice %add3A_106 {offsets = [0, 0], sizes = [64, 96], strides = [1, 1]} : vector<64x128xi32> to vector<64x96xi32>
    %concatenate3A_110 = tpu.concatenate %broadcast_in_dim3A_108, %slice3A_109 in 1 : vector<64x32xi32>, vector<64x96xi32> -> vector<64x128xi32>
    %add3A_111 = arith.addi %add3A_106, %concatenate3A_110 : vector<64x128xi32>
    %broadcast_in_dim3A_112 = arith.constant 0 : i32
    %broadcast_in_dim3A_113 = vector.broadcast %broadcast_in_dim3A_112 : i32 to vector<64x64xi32>
    %slice3A_114 = vector.extract_strided_slice %add3A_111 {offsets = [0, 0], sizes = [64, 64], strides = [1, 1]} : vector<64x128xi32> to vector<64x64xi32>
    %concatenate3A_115 = tpu.concatenate %broadcast_in_dim3A_113, %slice3A_114 in 1 : vector<64x64xi32>, vector<64x64xi32> -> vector<64x128xi32>
    %add3A_116 = arith.addi %add3A_111, %concatenate3A_115 : vector<64x128xi32>
    %slice3A_117 = vector.extract_strided_slice %add3A_116 {offsets = [0, 127], sizes = [64, 1], strides = [1, 1]} : vector<64x128xi32> to vector<64x1xi32>
    %broadcast_in_dim3A_118 = arith.constant 0 : i32
    %broadcast_in_dim3A_119 = vector.broadcast %broadcast_in_dim3A_118 : i32 to vector<1x1xi32>
    %slice3A_120 = vector.extract_strided_slice %slice3A_117 {offsets = [0, 0], sizes = [63, 1], strides = [1, 1]} : vector<64x1xi32> to vector<63x1xi32>
    %concatenate3A_121 = tpu.concatenate %broadcast_in_dim3A_119, %slice3A_120 in 0 : vector<1x1xi32>, vector<63x1xi32> -> vector<64x1xi32>
    %add3A_122 = arith.addi %slice3A_117, %concatenate3A_121 : vector<64x1xi32>
    %broadcast_in_dim3A_123 = arith.constant 0 : i32
    %broadcast_in_dim3A_124 = vector.broadcast %broadcast_in_dim3A_123 : i32 to vector<2x1xi32>
    %slice3A_125 = vector.extract_strided_slice %add3A_122 {offsets = [0, 0], sizes = [62, 1], strides = [1, 1]} : vector<64x1xi32> to vector<62x1xi32>
    %concatenate3A_126 = tpu.concatenate %broadcast_in_dim3A_124, %slice3A_125 in 0 : vector<2x1xi32>, vector<62x1xi32> -> vector<64x1xi32>
    %add3A_127 = arith.addi %add3A_122, %concatenate3A_126 : vector<64x1xi32>
    %broadcast_in_dim3A_128 = arith.constant 0 : i32
    %broadcast_in_dim3A_129 = vector.broadcast %broadcast_in_dim3A_128 : i32 to vector<4x1xi32>
    %slice3A_130 = vector.extract_strided_slice %add3A_127 {offsets = [0, 0], sizes = [60, 1], strides = [1, 1]} : vector<64x1xi32> to vector<60x1xi32>
    %concatenate3A_131 = tpu.concatenate %broadcast_in_dim3A_129, %slice3A_130 in 0 : vector<4x1xi32>, vector<60x1xi32> -> vector<64x1xi32>
    %add3A_132 = arith.addi %add3A_127, %concatenate3A_131 : vector<64x1xi32>
    %broadcast_in_dim3A_133 = arith.constant 0 : i32
    %broadcast_in_dim3A_134 = vector.broadcast %broadcast_in_dim3A_133 : i32 to vector<8x1xi32>
    %slice3A_135 = vector.extract_strided_slice %add3A_132 {offsets = [0, 0], sizes = [56, 1], strides = [1, 1]} : vector<64x1xi32> to vector<56x1xi32>
    %concatenate3A_136 = tpu.concatenate %broadcast_in_dim3A_134, %slice3A_135 in 0 : vector<8x1xi32>, vector<56x1xi32> -> vector<64x1xi32>
    %add3A_137 = arith.addi %add3A_132, %concatenate3A_136 : vector<64x1xi32>
    %broadcast_in_dim3A_138 = arith.constant 0 : i32
    %broadcast_in_dim3A_139 = vector.broadcast %broadcast_in_dim3A_138 : i32 to vector<16x1xi32>
    %slice3A_140 = vector.extract_strided_slice %add3A_137 {offsets = [0, 0], sizes = [48, 1], strides = [1, 1]} : vector<64x1xi32> to vector<48x1xi32>
    %concatenate3A_141 = tpu.concatenate %broadcast_in_dim3A_139, %slice3A_140 in 0 : vector<16x1xi32>, vector<48x1xi32> -> vector<64x1xi32>
    %add3A_142 = arith.addi %add3A_137, %concatenate3A_141 : vector<64x1xi32>
    %broadcast_in_dim3A_143 = arith.constant 0 : i32
    %broadcast_in_dim3A_144 = vector.broadcast %broadcast_in_dim3A_143 : i32 to vector<32x1xi32>
    %slice3A_145 = vector.extract_strided_slice %add3A_142 {offsets = [0, 0], sizes = [32, 1], strides = [1, 1]} : vector<64x1xi32> to vector<32x1xi32>
    %concatenate3A_146 = tpu.concatenate %broadcast_in_dim3A_144, %slice3A_145 in 0 : vector<32x1xi32>, vector<32x1xi32> -> vector<64x1xi32>
    %add3A_147 = arith.addi %add3A_142, %concatenate3A_146 : vector<64x1xi32>
    %sub3A_148 = arith.subi %add3A_147, %slice3A_117 : vector<64x1xi32>
    %add3A_149 = vector.broadcast %sub3A_148 : vector<64x1xi32> to vector<64x128xi32>
    %add3A_150 = arith.addi %add3A_116, %add3A_149 : vector<64x128xi32>
    %add3A_151 = vector.broadcast %reduce_sum3A_15 : i32 to vector<64x128xi32>
    %add3A_152 = arith.addi %add3A_150, %add3A_151 : vector<64x128xi32>
    %select_n3A_153 = arith.select %ge3A_7, %add3A_81, %add3A_152 : vector<64x128xi1>, vector<64x128xi32>
    %lt3A = arith.constant 16777 : i32
    %lt3A_154 = vector.broadcast %lt3A : i32 to vector<64x128xi32>
    %lt3A_155 = arith.cmpi slt, %select_n3A_153, %lt3A_154 : vector<64x128xi32>
    %convert_element_type3A = arith.extui %lt3A_155 : vector<64x128xi1> to vector<64x128xi32>
    %reduce_sum3A_156 = vector.shape_cast %convert_element_type3A : vector<64x128xi32> to vector<1x64x128xi32>
    %reduce_sum3A_157 = arith.constant dense<0> : vector<1xi32>
    %reduce_sum3A_158 = vector.multi_reduction <add>, %reduce_sum3A_156, %reduce_sum3A_157 [1, 2] : vector<1x64x128xi32> to vector<1xi32>
    %reduce_sum3A_159 = vector.shape_cast %reduce_sum3A_158 : vector<1xi32> to vector<1x1x1xi32>
    %reduce_sum3A_160 = vector.extract %reduce_sum3A_159[0, 0, 0] : i32 from vector<1x1x1xi32>
    %lt3A_161 = arith.constant 16777 : i32
    %lt3A_162 = vector.broadcast %lt3A_161 : i32 to vector<64x128xi32>
    %lt3A_163 = arith.cmpi slt, %select_n3A_153, %lt3A_162 : vector<64x128xi32>
    %jit3A_164 = arith.constant 0 : i32
    %broadcast_in_dim3A_165 = vector.broadcast %jit3A_164 : i32 to vector<64x128xi32>
    %select_n3A_166 = arith.select %lt3A_163, %select_n3A_153, %broadcast_in_dim3A_165 : vector<64x128xi1>, vector<64x128xi32>
    %reduce_max3A = vector.shape_cast %select_n3A_166 : vector<64x128xi32> to vector<1x64x128xi32>
    %reduce_max3A_167 = arith.constant dense<-2147483648> : vector<1xi32>
    %reduce_max3A_168 = vector.multi_reduction <maxsi>, %reduce_max3A, %reduce_max3A_167 [1, 2] : vector<1x64x128xi32> to vector<1xi32>
    %reduce_max3A_169 = vector.shape_cast %reduce_max3A_168 : vector<1xi32> to vector<1x1x1xi32>
    %reduce_max3A_170 = vector.extract %reduce_max3A_169[0, 0, 0] : i32 from vector<1x1x1xi32>
    %lt3A_171 = arith.constant 4096 : i32
    %lt3A_172 = arith.cmpi slt, %reduce_sum3A_160, %lt3A_171 : i32
    %sub3A_173 = arith.constant 8191 : i32
    %sub3A_174 = arith.subi %sub3A_173, %reduce_sum3A_160 : i32
    %sub3A_175 = arith.constant 4096 : i32
    %sub3A_176 = arith.subi %reduce_sum3A_160, %sub3A_175 : i32
    %select_n3A_177 = arith.select %lt3A_172, %sub3A_174, %sub3A_176 : i32
    %lt3A_178 = arith.constant 16760438 : i32
    %lt3A_179 = vector.broadcast %lt3A_178 : i32 to vector<64x128xi32>
    %lt3A_180 = arith.cmpi slt, %select_n3A_153, %lt3A_179 : vector<64x128xi32>
    %convert_element_type3A_181 = arith.extui %lt3A_180 : vector<64x128xi1> to vector<64x128xi32>
    %reduce_sum3A_182 = vector.shape_cast %convert_element_type3A_181 : vector<64x128xi32> to vector<1x64x128xi32>
    %reduce_sum3A_183 = arith.constant dense<0> : vector<1xi32>
    %reduce_sum3A_184 = vector.multi_reduction <add>, %reduce_sum3A_182, %reduce_sum3A_183 [1, 2] : vector<1x64x128xi32> to vector<1xi32>
    %reduce_sum3A_185 = vector.shape_cast %reduce_sum3A_184 : vector<1xi32> to vector<1x1x1xi32>
    %reduce_sum3A_186 = vector.extract %reduce_sum3A_185[0, 0, 0] : i32 from vector<1x1x1xi32>
    %lt3A_187 = arith.constant 16760438 : i32
    %lt3A_188 = vector.broadcast %lt3A_187 : i32 to vector<64x128xi32>
    %lt3A_189 = arith.cmpi slt, %select_n3A_153, %lt3A_188 : vector<64x128xi32>
    %jit3A_190 = arith.constant 0 : i32
    %broadcast_in_dim3A_191 = vector.broadcast %jit3A_190 : i32 to vector<64x128xi32>
    %select_n3A_192 = arith.select %lt3A_189, %select_n3A_153, %broadcast_in_dim3A_191 : vector<64x128xi1>, vector<64x128xi32>
    %reduce_max3A_193 = vector.shape_cast %select_n3A_192 : vector<64x128xi32> to vector<1x64x128xi32>
    %reduce_max3A_194 = arith.constant dense<-2147483648> : vector<1xi32>
    %reduce_max3A_195 = vector.multi_reduction <maxsi>, %reduce_max3A_193, %reduce_max3A_194 [1, 2] : vector<1x64x128xi32> to vector<1xi32>
    %reduce_max3A_196 = vector.shape_cast %reduce_max3A_195 : vector<1xi32> to vector<1x1x1xi32>
    %reduce_max3A_197 = vector.extract %reduce_max3A_196[0, 0, 0] : i32 from vector<1x1x1xi32>
    %lt3A_198 = arith.constant 4096 : i32
    %lt3A_199 = arith.cmpi slt, %reduce_sum3A_186, %lt3A_198 : i32
    %sub3A_200 = arith.constant 8191 : i32
    %sub3A_201 = arith.subi %sub3A_200, %reduce_sum3A_186 : i32
    %sub3A_202 = arith.constant 4096 : i32
    %sub3A_203 = arith.subi %reduce_sum3A_186, %sub3A_202 : i32
    %select_n3A_204 = arith.select %lt3A_199, %sub3A_201, %sub3A_203 : i32
    %broadcast_in_dim3A_205 = arith.constant 0 : i32
    %broadcast_in_dim3A_206 = vector.broadcast %broadcast_in_dim3A_205 : i32 to vector<16xi32>
    %broadcast_in_dim3A_207 = vector.broadcast %select_n3A_177 : i32 to vector<16xi32>
    %broadcast_in_dim3A_208 = vector.broadcast %select_n3A_204 : i32 to vector<16xi32>
    %broadcast_in_dim3A_209 = vector.broadcast %reduce_max3A_170 : i32 to vector<16xi32>
    %broadcast_in_dim3A_210 = vector.broadcast %reduce_max3A_197 : i32 to vector<16xi32>
    %stack3A = vector.shape_cast %broadcast_in_dim3A_207 : vector<16xi32> to vector<1x16xi32>
    %stack3A_211 = vector.shape_cast %broadcast_in_dim3A_208 : vector<16xi32> to vector<1x16xi32>
    %stack3A_212 = vector.shape_cast %broadcast_in_dim3A_209 : vector<16xi32> to vector<1x16xi32>
    %stack3A_213 = vector.shape_cast %broadcast_in_dim3A_210 : vector<16xi32> to vector<1x16xi32>
    %stack3A_214 = vector.shape_cast %broadcast_in_dim3A_206 : vector<16xi32> to vector<1x16xi32>
    %stack3A_215 = vector.shape_cast %broadcast_in_dim3A_206 : vector<16xi32> to vector<1x16xi32>
    %stack3A_216 = vector.shape_cast %broadcast_in_dim3A_206 : vector<16xi32> to vector<1x16xi32>
    %stack3A_217 = vector.shape_cast %broadcast_in_dim3A_206 : vector<16xi32> to vector<1x16xi32>
    %stack3A_218 = tpu.concatenate %stack3A, %stack3A_211, %stack3A_212, %stack3A_213, %stack3A_214, %stack3A_215, %stack3A_216, %stack3A_217 in 0 : vector<1x16xi32>, vector<1x16xi32>, vector<1x16xi32>, vector<1x16xi32>, vector<1x16xi32>, vector<1x16xi32>, vector<1x16xi32>, vector<1x16xi32> -> vector<8x16xi32>
    %swap3A = arith.constant 0 : index
    %swap3A_219 = arith.constant 0 : index
    %swap3A_220 = vector.load %arg1[%swap3A, %swap3A_219] : memref<8x16xi32, #tpu.memory_space<vmem>>, vector<8x16xi32>
    tpu.vector_store %arg1[%swap3A, %swap3A_219], %stack3A_218 {strides = array<i32>} : memref<8x16xi32, #tpu.memory_space<vmem>>, vector<8x16xi32>,
    return
  }
}

module attributes {stable_mosaic.version = 14 : i64} {
  func.func @_glue3_body(%arg0: memref<32x1040xi32, #tpu.memory_space<vmem>>, %arg1: memref<8x16xi32, #tpu.memory_space<vmem>>, %arg2: memref<2048x2048xf32, #tpu.memory_space<vmem>>, %arg3: memref<8x128xf32, #tpu.memory_space<vmem>>) attributes {dimension_semantics = [], scalar_prefetch = 0 : i64, scratch_operands = 0 : i64, tpu.core_type = #tpu.core_type<tc>} {
    %get3A = arith.constant 0 : index
    %get3A_0 = arith.constant 0 : index
    %get3A_1 = vector.load %arg0[%get3A, %get3A_0] : memref<32x1040xi32, #tpu.memory_space<vmem>>, vector<32x1040xi32>
    %get3A_2 = arith.constant 0 : index
    %get3A_3 = arith.constant 0 : index
    %get3A_4 = vector.load %arg1[%get3A_2, %get3A_3] : memref<8x16xi32, #tpu.memory_space<vmem>>, vector<8x16xi32>
    %slice3A = vector.extract_strided_slice %get3A_1 {offsets = [0, 0], sizes = [32, 1024], strides = [1, 1]} : vector<32x1040xi32> to vector<32x1024xi32>
    %reshape3A = vector.shape_cast %slice3A : vector<32x1024xi32> to vector<32x2x4x128xi32>
    %reduce_sum3A = arith.constant dense<0> : vector<2x4x128xi32>
    %reduce_sum3A_5 = vector.multi_reduction <add>, %reshape3A, %reduce_sum3A [0] : vector<32x2x4x128xi32> to vector<2x4x128xi32>
    %slice3A_6 = vector.extract_strided_slice %reduce_sum3A_5 {offsets = [0, 0, 0], sizes = [1, 4, 128], strides = [1, 1, 1]} : vector<2x4x128xi32> to vector<1x4x128xi32>
    %squeeze3A = vector.shape_cast %slice3A_6 : vector<1x4x128xi32> to vector<4x128xi32>
    %slice3A_7 = vector.extract_strided_slice %reduce_sum3A_5 {offsets = [1, 0, 0], sizes = [1, 4, 128], strides = [1, 1, 1]} : vector<2x4x128xi32> to vector<1x4x128xi32>
    %squeeze3A_8 = vector.shape_cast %slice3A_7 : vector<1x4x128xi32> to vector<4x128xi32>
    %slice3A_9 = vector.extract_strided_slice %get3A_4 {offsets = [0, 0], sizes = [1, 1], strides = [1, 1]} : vector<8x16xi32> to vector<1x1xi32>
    %squeeze3A_10 = vector.extract %slice3A_9[0, 0] : i32 from vector<1x1xi32>
    %slice3A_11 = vector.extract_strided_slice %get3A_4 {offsets = [1, 0], sizes = [1, 1], strides = [1, 1]} : vector<8x16xi32> to vector<1x1xi32>
    %squeeze3A_12 = vector.extract %slice3A_11[0, 0] : i32 from vector<1x1xi32>
    %slice3A_13 = vector.extract_strided_slice %get3A_4 {offsets = [2, 0], sizes = [1, 1], strides = [1, 1]} : vector<8x16xi32> to vector<1x1xi32>
    %squeeze3A_14 = vector.extract %slice3A_13[0, 0] : i32 from vector<1x1xi32>
    %slice3A_15 = vector.extract_strided_slice %get3A_4 {offsets = [3, 0], sizes = [1, 1], strides = [1, 1]} : vector<8x16xi32> to vector<1x1xi32>
    %squeeze3A_16 = vector.extract %slice3A_15[0, 0] : i32 from vector<1x1xi32>
    %eq3A = arith.cmpi eq, %squeeze3A_10, %squeeze3A_12 : i32
    %select_n3A = arith.select %eq3A, %squeeze3A, %squeeze3A_8 : vector<4x128xi32>
    %shift_right_logical3A = arith.constant 22 : i32
    %shift_right_logical3A_17 = arith.shrui %squeeze3A_10, %shift_right_logical3A : i32
    %eq3A_18 = arith.constant 1 : i32
    %eq3A_19 = arith.cmpi eq, %shift_right_logical3A_17, %eq3A_18 : i32
    %shift_right_logical3A_20 = arith.constant 22 : i32
    %shift_right_logical3A_21 = arith.shrui %squeeze3A_12, %shift_right_logical3A_20 : i32
    %eq3A_22 = arith.constant 1 : i32
    %eq3A_23 = arith.cmpi eq, %shift_right_logical3A_21, %eq3A_22 : i32
    %sub3A = arith.constant 16777 : i32
    %sub3A_24 = arith.subi %sub3A, %squeeze3A_14 : i32
    %slice3A_25 = vector.extract_strided_slice %squeeze3A {offsets = [0, 1], sizes = [4, 127], strides = [1, 1]} : vector<4x128xi32> to vector<4x127xi32>
    %broadcast_in_dim3A = arith.constant 0 : i32
    %broadcast_in_dim3A_26 = vector.broadcast %broadcast_in_dim3A : i32 to vector<4x1xi32>
    %concatenate3A = tpu.concatenate %slice3A_25, %broadcast_in_dim3A_26 in 1 : vector<4x127xi32>, vector<4x1xi32> -> vector<4x128xi32>
    %add3A = arith.addi %squeeze3A, %concatenate3A : vector<4x128xi32>
    %slice3A_27 = vector.extract_strided_slice %add3A {offsets = [0, 2], sizes = [4, 126], strides = [1, 1]} : vector<4x128xi32> to vector<4x126xi32>
    %broadcast_in_dim3A_28 = arith.constant 0 : i32
    %broadcast_in_dim3A_29 = vector.broadcast %broadcast_in_dim3A_28 : i32 to vector<4x2xi32>
    %concatenate3A_30 = tpu.concatenate %slice3A_27, %broadcast_in_dim3A_29 in 1 : vector<4x126xi32>, vector<4x2xi32> -> vector<4x128xi32>
    %add3A_31 = arith.addi %add3A, %concatenate3A_30 : vector<4x128xi32>
    %slice3A_32 = vector.extract_strided_slice %add3A_31 {offsets = [0, 4], sizes = [4, 124], strides = [1, 1]} : vector<4x128xi32> to vector<4x124xi32>
    %broadcast_in_dim3A_33 = arith.constant 0 : i32
    %broadcast_in_dim3A_34 = vector.broadcast %broadcast_in_dim3A_33 : i32 to vector<4x4xi32>
    %concatenate3A_35 = tpu.concatenate %slice3A_32, %broadcast_in_dim3A_34 in 1 : vector<4x124xi32>, vector<4x4xi32> -> vector<4x128xi32>
    %add3A_36 = arith.addi %add3A_31, %concatenate3A_35 : vector<4x128xi32>
    %slice3A_37 = vector.extract_strided_slice %add3A_36 {offsets = [0, 8], sizes = [4, 120], strides = [1, 1]} : vector<4x128xi32> to vector<4x120xi32>
    %broadcast_in_dim3A_38 = arith.constant 0 : i32
    %broadcast_in_dim3A_39 = vector.broadcast %broadcast_in_dim3A_38 : i32 to vector<4x8xi32>
    %concatenate3A_40 = tpu.concatenate %slice3A_37, %broadcast_in_dim3A_39 in 1 : vector<4x120xi32>, vector<4x8xi32> -> vector<4x128xi32>
    %add3A_41 = arith.addi %add3A_36, %concatenate3A_40 : vector<4x128xi32>
    %slice3A_42 = vector.extract_strided_slice %add3A_41 {offsets = [0, 16], sizes = [4, 112], strides = [1, 1]} : vector<4x128xi32> to vector<4x112xi32>
    %broadcast_in_dim3A_43 = arith.constant 0 : i32
    %broadcast_in_dim3A_44 = vector.broadcast %broadcast_in_dim3A_43 : i32 to vector<4x16xi32>
    %concatenate3A_45 = tpu.concatenate %slice3A_42, %broadcast_in_dim3A_44 in 1 : vector<4x112xi32>, vector<4x16xi32> -> vector<4x128xi32>
    %add3A_46 = arith.addi %add3A_41, %concatenate3A_45 : vector<4x128xi32>
    %slice3A_47 = vector.extract_strided_slice %add3A_46 {offsets = [0, 32], sizes = [4, 96], strides = [1, 1]} : vector<4x128xi32> to vector<4x96xi32>
    %broadcast_in_dim3A_48 = arith.constant 0 : i32
    %broadcast_in_dim3A_49 = vector.broadcast %broadcast_in_dim3A_48 : i32 to vector<4x32xi32>
    %concatenate3A_50 = tpu.concatenate %slice3A_47, %broadcast_in_dim3A_49 in 1 : vector<4x96xi32>, vector<4x32xi32> -> vector<4x128xi32>
    %add3A_51 = arith.addi %add3A_46, %concatenate3A_50 : vector<4x128xi32>
    %slice3A_52 = vector.extract_strided_slice %add3A_51 {offsets = [0, 64], sizes = [4, 64], strides = [1, 1]} : vector<4x128xi32> to vector<4x64xi32>
    %broadcast_in_dim3A_53 = arith.constant 0 : i32
    %broadcast_in_dim3A_54 = vector.broadcast %broadcast_in_dim3A_53 : i32 to vector<4x64xi32>
    %concatenate3A_55 = tpu.concatenate %slice3A_52, %broadcast_in_dim3A_54 in 1 : vector<4x64xi32>, vector<4x64xi32> -> vector<4x128xi32>
    %add3A_56 = arith.addi %add3A_51, %concatenate3A_55 : vector<4x128xi32>
    %slice3A_57 = vector.extract_strided_slice %add3A_56 {offsets = [0, 0], sizes = [4, 1], strides = [1, 1]} : vector<4x128xi32> to vector<4x1xi32>
    %slice3A_58 = vector.extract_strided_slice %slice3A_57 {offsets = [1, 0], sizes = [3, 1], strides = [1, 1]} : vector<4x1xi32> to vector<3x1xi32>
    %broadcast_in_dim3A_59 = arith.constant 0 : i32
    %broadcast_in_dim3A_60 = vector.broadcast %broadcast_in_dim3A_59 : i32 to vector<1x1xi32>
    %concatenate3A_61 = tpu.concatenate %slice3A_58, %broadcast_in_dim3A_60 in 0 : vector<3x1xi32>, vector<1x1xi32> -> vector<4x1xi32>
    %add3A_62 = arith.addi %slice3A_57, %concatenate3A_61 : vector<4x1xi32>
    %slice3A_63 = vector.extract_strided_slice %add3A_62 {offsets = [2, 0], sizes = [2, 1], strides = [1, 1]} : vector<4x1xi32> to vector<2x1xi32>
    %broadcast_in_dim3A_64 = arith.constant 0 : i32
    %broadcast_in_dim3A_65 = vector.broadcast %broadcast_in_dim3A_64 : i32 to vector<2x1xi32>
    %concatenate3A_66 = tpu.concatenate %slice3A_63, %broadcast_in_dim3A_65 in 0 : vector<2x1xi32>, vector<2x1xi32> -> vector<4x1xi32>
    %add3A_67 = arith.addi %add3A_62, %concatenate3A_66 : vector<4x1xi32>
    %sub3A_68 = arith.subi %add3A_67, %slice3A_57 : vector<4x1xi32>
    %add3A_69 = vector.broadcast %sub3A_68 : vector<4x1xi32> to vector<4x128xi32>
    %add3A_70 = arith.addi %add3A_56, %add3A_69 : vector<4x128xi32>
    %broadcast_in_dim3A_71 = arith.constant 0 : i32
    %broadcast_in_dim3A_72 = vector.broadcast %broadcast_in_dim3A_71 : i32 to vector<4x1xi32>
    %slice3A_73 = vector.extract_strided_slice %squeeze3A {offsets = [0, 0], sizes = [4, 127], strides = [1, 1]} : vector<4x128xi32> to vector<4x127xi32>
    %concatenate3A_74 = tpu.concatenate %broadcast_in_dim3A_72, %slice3A_73 in 1 : vector<4x1xi32>, vector<4x127xi32> -> vector<4x128xi32>
    %add3A_75 = arith.addi %squeeze3A, %concatenate3A_74 : vector<4x128xi32>
    %broadcast_in_dim3A_76 = arith.constant 0 : i32
    %broadcast_in_dim3A_77 = vector.broadcast %broadcast_in_dim3A_76 : i32 to vector<4x2xi32>
    %slice3A_78 = vector.extract_strided_slice %add3A_75 {offsets = [0, 0], sizes = [4, 126], strides = [1, 1]} : vector<4x128xi32> to vector<4x126xi32>
    %concatenate3A_79 = tpu.concatenate %broadcast_in_dim3A_77, %slice3A_78 in 1 : vector<4x2xi32>, vector<4x126xi32> -> vector<4x128xi32>
    %add3A_80 = arith.addi %add3A_75, %concatenate3A_79 : vector<4x128xi32>
    %broadcast_in_dim3A_81 = arith.constant 0 : i32
    %broadcast_in_dim3A_82 = vector.broadcast %broadcast_in_dim3A_81 : i32 to vector<4x4xi32>
    %slice3A_83 = vector.extract_strided_slice %add3A_80 {offsets = [0, 0], sizes = [4, 124], strides = [1, 1]} : vector<4x128xi32> to vector<4x124xi32>
    %concatenate3A_84 = tpu.concatenate %broadcast_in_dim3A_82, %slice3A_83 in 1 : vector<4x4xi32>, vector<4x124xi32> -> vector<4x128xi32>
    %add3A_85 = arith.addi %add3A_80, %concatenate3A_84 : vector<4x128xi32>
    %broadcast_in_dim3A_86 = arith.constant 0 : i32
    %broadcast_in_dim3A_87 = vector.broadcast %broadcast_in_dim3A_86 : i32 to vector<4x8xi32>
    %slice3A_88 = vector.extract_strided_slice %add3A_85 {offsets = [0, 0], sizes = [4, 120], strides = [1, 1]} : vector<4x128xi32> to vector<4x120xi32>
    %concatenate3A_89 = tpu.concatenate %broadcast_in_dim3A_87, %slice3A_88 in 1 : vector<4x8xi32>, vector<4x120xi32> -> vector<4x128xi32>
    %add3A_90 = arith.addi %add3A_85, %concatenate3A_89 : vector<4x128xi32>
    %broadcast_in_dim3A_91 = arith.constant 0 : i32
    %broadcast_in_dim3A_92 = vector.broadcast %broadcast_in_dim3A_91 : i32 to vector<4x16xi32>
    %slice3A_93 = vector.extract_strided_slice %add3A_90 {offsets = [0, 0], sizes = [4, 112], strides = [1, 1]} : vector<4x128xi32> to vector<4x112xi32>
    %concatenate3A_94 = tpu.concatenate %broadcast_in_dim3A_92, %slice3A_93 in 1 : vector<4x16xi32>, vector<4x112xi32> -> vector<4x128xi32>
    %add3A_95 = arith.addi %add3A_90, %concatenate3A_94 : vector<4x128xi32>
    %broadcast_in_dim3A_96 = arith.constant 0 : i32
    %broadcast_in_dim3A_97 = vector.broadcast %broadcast_in_dim3A_96 : i32 to vector<4x32xi32>
    %slice3A_98 = vector.extract_strided_slice %add3A_95 {offsets = [0, 0], sizes = [4, 96], strides = [1, 1]} : vector<4x128xi32> to vector<4x96xi32>
    %concatenate3A_99 = tpu.concatenate %broadcast_in_dim3A_97, %slice3A_98 in 1 : vector<4x32xi32>, vector<4x96xi32> -> vector<4x128xi32>
    %add3A_100 = arith.addi %add3A_95, %concatenate3A_99 : vector<4x128xi32>
    %broadcast_in_dim3A_101 = arith.constant 0 : i32
    %broadcast_in_dim3A_102 = vector.broadcast %broadcast_in_dim3A_101 : i32 to vector<4x64xi32>
    %slice3A_103 = vector.extract_strided_slice %add3A_100 {offsets = [0, 0], sizes = [4, 64], strides = [1, 1]} : vector<4x128xi32> to vector<4x64xi32>
    %concatenate3A_104 = tpu.concatenate %broadcast_in_dim3A_102, %slice3A_103 in 1 : vector<4x64xi32>, vector<4x64xi32> -> vector<4x128xi32>
    %add3A_105 = arith.addi %add3A_100, %concatenate3A_104 : vector<4x128xi32>
    %slice3A_106 = vector.extract_strided_slice %add3A_105 {offsets = [0, 127], sizes = [4, 1], strides = [1, 1]} : vector<4x128xi32> to vector<4x1xi32>
    %broadcast_in_dim3A_107 = arith.constant 0 : i32
    %broadcast_in_dim3A_108 = vector.broadcast %broadcast_in_dim3A_107 : i32 to vector<1x1xi32>
    %slice3A_109 = vector.extract_strided_slice %slice3A_106 {offsets = [0, 0], sizes = [3, 1], strides = [1, 1]} : vector<4x1xi32> to vector<3x1xi32>
    %concatenate3A_110 = tpu.concatenate %broadcast_in_dim3A_108, %slice3A_109 in 0 : vector<1x1xi32>, vector<3x1xi32> -> vector<4x1xi32>
    %add3A_111 = arith.addi %slice3A_106, %concatenate3A_110 : vector<4x1xi32>
    %broadcast_in_dim3A_112 = arith.constant 0 : i32
    %broadcast_in_dim3A_113 = vector.broadcast %broadcast_in_dim3A_112 : i32 to vector<2x1xi32>
    %slice3A_114 = vector.extract_strided_slice %add3A_111 {offsets = [0, 0], sizes = [2, 1], strides = [1, 1]} : vector<4x1xi32> to vector<2x1xi32>
    %concatenate3A_115 = tpu.concatenate %broadcast_in_dim3A_113, %slice3A_114 in 0 : vector<2x1xi32>, vector<2x1xi32> -> vector<4x1xi32>
    %add3A_116 = arith.addi %add3A_111, %concatenate3A_115 : vector<4x1xi32>
    %sub3A_117 = arith.subi %add3A_116, %slice3A_106 : vector<4x1xi32>
    %add3A_118 = vector.broadcast %sub3A_117 : vector<4x1xi32> to vector<4x128xi32>
    %add3A_119 = arith.addi %add3A_105, %add3A_118 : vector<4x128xi32>
    %select_n3A_120 = arith.select %eq3A_19, %add3A_70, %add3A_119 : vector<4x128xi32>
    %lt3A = vector.broadcast %sub3A_24 : i32 to vector<4x128xi32>
    %lt3A_121 = arith.cmpi slt, %select_n3A_120, %lt3A : vector<4x128xi32>
    %convert_element_type3A = arith.extui %lt3A_121 : vector<4x128xi1> to vector<4x128xi32>
    %reduce_sum3A_122 = vector.shape_cast %convert_element_type3A : vector<4x128xi32> to vector<1x4x128xi32>
    %reduce_sum3A_123 = arith.constant dense<0> : vector<1xi32>
    %reduce_sum3A_124 = vector.multi_reduction <add>, %reduce_sum3A_122, %reduce_sum3A_123 [1, 2] : vector<1x4x128xi32> to vector<1xi32>
    %reduce_sum3A_125 = vector.shape_cast %reduce_sum3A_124 : vector<1xi32> to vector<1x1x1xi32>
    %reduce_sum3A_126 = vector.extract %reduce_sum3A_125[0, 0, 0] : i32 from vector<1x1x1xi32>
    %sub3A_127 = arith.constant 511 : i32
    %sub3A_128 = arith.subi %sub3A_127, %reduce_sum3A_126 : i32
    %select_n3A_129 = arith.select %eq3A_19, %sub3A_128, %reduce_sum3A_126 : i32
    %sub3A_130 = arith.constant 16760438 : i32
    %sub3A_131 = arith.subi %sub3A_130, %squeeze3A_16 : i32
    %slice3A_132 = vector.extract_strided_slice %select_n3A {offsets = [0, 1], sizes = [4, 127], strides = [1, 1]} : vector<4x128xi32> to vector<4x127xi32>
    %broadcast_in_dim3A_133 = arith.constant 0 : i32
    %broadcast_in_dim3A_134 = vector.broadcast %broadcast_in_dim3A_133 : i32 to vector<4x1xi32>
    %concatenate3A_135 = tpu.concatenate %slice3A_132, %broadcast_in_dim3A_134 in 1 : vector<4x127xi32>, vector<4x1xi32> -> vector<4x128xi32>
    %add3A_136 = arith.addi %select_n3A, %concatenate3A_135 : vector<4x128xi32>
    %slice3A_137 = vector.extract_strided_slice %add3A_136 {offsets = [0, 2], sizes = [4, 126], strides = [1, 1]} : vector<4x128xi32> to vector<4x126xi32>
    %broadcast_in_dim3A_138 = arith.constant 0 : i32
    %broadcast_in_dim3A_139 = vector.broadcast %broadcast_in_dim3A_138 : i32 to vector<4x2xi32>
    %concatenate3A_140 = tpu.concatenate %slice3A_137, %broadcast_in_dim3A_139 in 1 : vector<4x126xi32>, vector<4x2xi32> -> vector<4x128xi32>
    %add3A_141 = arith.addi %add3A_136, %concatenate3A_140 : vector<4x128xi32>
    %slice3A_142 = vector.extract_strided_slice %add3A_141 {offsets = [0, 4], sizes = [4, 124], strides = [1, 1]} : vector<4x128xi32> to vector<4x124xi32>
    %broadcast_in_dim3A_143 = arith.constant 0 : i32
    %broadcast_in_dim3A_144 = vector.broadcast %broadcast_in_dim3A_143 : i32 to vector<4x4xi32>
    %concatenate3A_145 = tpu.concatenate %slice3A_142, %broadcast_in_dim3A_144 in 1 : vector<4x124xi32>, vector<4x4xi32> -> vector<4x128xi32>
    %add3A_146 = arith.addi %add3A_141, %concatenate3A_145 : vector<4x128xi32>
    %slice3A_147 = vector.extract_strided_slice %add3A_146 {offsets = [0, 8], sizes = [4, 120], strides = [1, 1]} : vector<4x128xi32> to vector<4x120xi32>
    %broadcast_in_dim3A_148 = arith.constant 0 : i32
    %broadcast_in_dim3A_149 = vector.broadcast %broadcast_in_dim3A_148 : i32 to vector<4x8xi32>
    %concatenate3A_150 = tpu.concatenate %slice3A_147, %broadcast_in_dim3A_149 in 1 : vector<4x120xi32>, vector<4x8xi32> -> vector<4x128xi32>
    %add3A_151 = arith.addi %add3A_146, %concatenate3A_150 : vector<4x128xi32>
    %slice3A_152 = vector.extract_strided_slice %add3A_151 {offsets = [0, 16], sizes = [4, 112], strides = [1, 1]} : vector<4x128xi32> to vector<4x112xi32>
    %broadcast_in_dim3A_153 = arith.constant 0 : i32
    %broadcast_in_dim3A_154 = vector.broadcast %broadcast_in_dim3A_153 : i32 to vector<4x16xi32>
    %concatenate3A_155 = tpu.concatenate %slice3A_152, %broadcast_in_dim3A_154 in 1 : vector<4x112xi32>, vector<4x16xi32> -> vector<4x128xi32>
    %add3A_156 = arith.addi %add3A_151, %concatenate3A_155 : vector<4x128xi32>
    %slice3A_157 = vector.extract_strided_slice %add3A_156 {offsets = [0, 32], sizes = [4, 96], strides = [1, 1]} : vector<4x128xi32> to vector<4x96xi32>
    %broadcast_in_dim3A_158 = arith.constant 0 : i32
    %broadcast_in_dim3A_159 = vector.broadcast %broadcast_in_dim3A_158 : i32 to vector<4x32xi32>
    %concatenate3A_160 = tpu.concatenate %slice3A_157, %broadcast_in_dim3A_159 in 1 : vector<4x96xi32>, vector<4x32xi32> -> vector<4x128xi32>
    %add3A_161 = arith.addi %add3A_156, %concatenate3A_160 : vector<4x128xi32>
    %slice3A_162 = vector.extract_strided_slice %add3A_161 {offsets = [0, 64], sizes = [4, 64], strides = [1, 1]} : vector<4x128xi32> to vector<4x64xi32>
    %broadcast_in_dim3A_163 = arith.constant 0 : i32
    %broadcast_in_dim3A_164 = vector.broadcast %broadcast_in_dim3A_163 : i32 to vector<4x64xi32>
    %concatenate3A_165 = tpu.concatenate %slice3A_162, %broadcast_in_dim3A_164 in 1 : vector<4x64xi32>, vector<4x64xi32> -> vector<4x128xi32>
    %add3A_166 = arith.addi %add3A_161, %concatenate3A_165 : vector<4x128xi32>
    %slice3A_167 = vector.extract_strided_slice %add3A_166 {offsets = [0, 0], sizes = [4, 1], strides = [1, 1]} : vector<4x128xi32> to vector<4x1xi32>
    %slice3A_168 = vector.extract_strided_slice %slice3A_167 {offsets = [1, 0], sizes = [3, 1], strides = [1, 1]} : vector<4x1xi32> to vector<3x1xi32>
    %broadcast_in_dim3A_169 = arith.constant 0 : i32
    %broadcast_in_dim3A_170 = vector.broadcast %broadcast_in_dim3A_169 : i32 to vector<1x1xi32>
    %concatenate3A_171 = tpu.concatenate %slice3A_168, %broadcast_in_dim3A_170 in 0 : vector<3x1xi32>, vector<1x1xi32> -> vector<4x1xi32>
    %add3A_172 = arith.addi %slice3A_167, %concatenate3A_171 : vector<4x1xi32>
    %slice3A_173 = vector.extract_strided_slice %add3A_172 {offsets = [2, 0], sizes = [2, 1], strides = [1, 1]} : vector<4x1xi32> to vector<2x1xi32>
    %broadcast_in_dim3A_174 = arith.constant 0 : i32
    %broadcast_in_dim3A_175 = vector.broadcast %broadcast_in_dim3A_174 : i32 to vector<2x1xi32>
    %concatenate3A_176 = tpu.concatenate %slice3A_173, %broadcast_in_dim3A_175 in 0 : vector<2x1xi32>, vector<2x1xi32> -> vector<4x1xi32>
    %add3A_177 = arith.addi %add3A_172, %concatenate3A_176 : vector<4x1xi32>
    %sub3A_178 = arith.subi %add3A_177, %slice3A_167 : vector<4x1xi32>
    %add3A_179 = vector.broadcast %sub3A_178 : vector<4x1xi32> to vector<4x128xi32>
    %add3A_180 = arith.addi %add3A_166, %add3A_179 : vector<4x128xi32>
    %broadcast_in_dim3A_181 = arith.constant 0 : i32
    %broadcast_in_dim3A_182 = vector.broadcast %broadcast_in_dim3A_181 : i32 to vector<4x1xi32>
    %slice3A_183 = vector.extract_strided_slice %select_n3A {offsets = [0, 0], sizes = [4, 127], strides = [1, 1]} : vector<4x128xi32> to vector<4x127xi32>
    %concatenate3A_184 = tpu.concatenate %broadcast_in_dim3A_182, %slice3A_183 in 1 : vector<4x1xi32>, vector<4x127xi32> -> vector<4x128xi32>
    %add3A_185 = arith.addi %select_n3A, %concatenate3A_184 : vector<4x128xi32>
    %broadcast_in_dim3A_186 = arith.constant 0 : i32
    %broadcast_in_dim3A_187 = vector.broadcast %broadcast_in_dim3A_186 : i32 to vector<4x2xi32>
    %slice3A_188 = vector.extract_strided_slice %add3A_185 {offsets = [0, 0], sizes = [4, 126], strides = [1, 1]} : vector<4x128xi32> to vector<4x126xi32>
    %concatenate3A_189 = tpu.concatenate %broadcast_in_dim3A_187, %slice3A_188 in 1 : vector<4x2xi32>, vector<4x126xi32> -> vector<4x128xi32>
    %add3A_190 = arith.addi %add3A_185, %concatenate3A_189 : vector<4x128xi32>
    %broadcast_in_dim3A_191 = arith.constant 0 : i32
    %broadcast_in_dim3A_192 = vector.broadcast %broadcast_in_dim3A_191 : i32 to vector<4x4xi32>
    %slice3A_193 = vector.extract_strided_slice %add3A_190 {offsets = [0, 0], sizes = [4, 124], strides = [1, 1]} : vector<4x128xi32> to vector<4x124xi32>
    %concatenate3A_194 = tpu.concatenate %broadcast_in_dim3A_192, %slice3A_193 in 1 : vector<4x4xi32>, vector<4x124xi32> -> vector<4x128xi32>
    %add3A_195 = arith.addi %add3A_190, %concatenate3A_194 : vector<4x128xi32>
    %broadcast_in_dim3A_196 = arith.constant 0 : i32
    %broadcast_in_dim3A_197 = vector.broadcast %broadcast_in_dim3A_196 : i32 to vector<4x8xi32>
    %slice3A_198 = vector.extract_strided_slice %add3A_195 {offsets = [0, 0], sizes = [4, 120], strides = [1, 1]} : vector<4x128xi32> to vector<4x120xi32>
    %concatenate3A_199 = tpu.concatenate %broadcast_in_dim3A_197, %slice3A_198 in 1 : vector<4x8xi32>, vector<4x120xi32> -> vector<4x128xi32>
    %add3A_200 = arith.addi %add3A_195, %concatenate3A_199 : vector<4x128xi32>
    %broadcast_in_dim3A_201 = arith.constant 0 : i32
    %broadcast_in_dim3A_202 = vector.broadcast %broadcast_in_dim3A_201 : i32 to vector<4x16xi32>
    %slice3A_203 = vector.extract_strided_slice %add3A_200 {offsets = [0, 0], sizes = [4, 112], strides = [1, 1]} : vector<4x128xi32> to vector<4x112xi32>
    %concatenate3A_204 = tpu.concatenate %broadcast_in_dim3A_202, %slice3A_203 in 1 : vector<4x16xi32>, vector<4x112xi32> -> vector<4x128xi32>
    %add3A_205 = arith.addi %add3A_200, %concatenate3A_204 : vector<4x128xi32>
    %broadcast_in_dim3A_206 = arith.constant 0 : i32
    %broadcast_in_dim3A_207 = vector.broadcast %broadcast_in_dim3A_206 : i32 to vector<4x32xi32>
    %slice3A_208 = vector.extract_strided_slice %add3A_205 {offsets = [0, 0], sizes = [4, 96], strides = [1, 1]} : vector<4x128xi32> to vector<4x96xi32>
    %concatenate3A_209 = tpu.concatenate %broadcast_in_dim3A_207, %slice3A_208 in 1 : vector<4x32xi32>, vector<4x96xi32> -> vector<4x128xi32>
    %add3A_210 = arith.addi %add3A_205, %concatenate3A_209 : vector<4x128xi32>
    %broadcast_in_dim3A_211 = arith.constant 0 : i32
    %broadcast_in_dim3A_212 = vector.broadcast %broadcast_in_dim3A_211 : i32 to vector<4x64xi32>
    %slice3A_213 = vector.extract_strided_slice %add3A_210 {offsets = [0, 0], sizes = [4, 64], strides = [1, 1]} : vector<4x128xi32> to vector<4x64xi32>
    %concatenate3A_214 = tpu.concatenate %broadcast_in_dim3A_212, %slice3A_213 in 1 : vector<4x64xi32>, vector<4x64xi32> -> vector<4x128xi32>
    %add3A_215 = arith.addi %add3A_210, %concatenate3A_214 : vector<4x128xi32>
    %slice3A_216 = vector.extract_strided_slice %add3A_215 {offsets = [0, 127], sizes = [4, 1], strides = [1, 1]} : vector<4x128xi32> to vector<4x1xi32>
    %broadcast_in_dim3A_217 = arith.constant 0 : i32
    %broadcast_in_dim3A_218 = vector.broadcast %broadcast_in_dim3A_217 : i32 to vector<1x1xi32>
    %slice3A_219 = vector.extract_strided_slice %slice3A_216 {offsets = [0, 0], sizes = [3, 1], strides = [1, 1]} : vector<4x1xi32> to vector<3x1xi32>
    %concatenate3A_220 = tpu.concatenate %broadcast_in_dim3A_218, %slice3A_219 in 0 : vector<1x1xi32>, vector<3x1xi32> -> vector<4x1xi32>
    %add3A_221 = arith.addi %slice3A_216, %concatenate3A_220 : vector<4x1xi32>
    %broadcast_in_dim3A_222 = arith.constant 0 : i32
    %broadcast_in_dim3A_223 = vector.broadcast %broadcast_in_dim3A_222 : i32 to vector<2x1xi32>
    %slice3A_224 = vector.extract_strided_slice %add3A_221 {offsets = [0, 0], sizes = [2, 1], strides = [1, 1]} : vector<4x1xi32> to vector<2x1xi32>
    %concatenate3A_225 = tpu.concatenate %broadcast_in_dim3A_223, %slice3A_224 in 0 : vector<2x1xi32>, vector<2x1xi32> -> vector<4x1xi32>
    %add3A_226 = arith.addi %add3A_221, %concatenate3A_225 : vector<4x1xi32>
    %sub3A_227 = arith.subi %add3A_226, %slice3A_216 : vector<4x1xi32>
    %add3A_228 = vector.broadcast %sub3A_227 : vector<4x1xi32> to vector<4x128xi32>
    %add3A_229 = arith.addi %add3A_215, %add3A_228 : vector<4x128xi32>
    %select_n3A_230 = arith.select %eq3A_23, %add3A_180, %add3A_229 : vector<4x128xi32>
    %lt3A_231 = vector.broadcast %sub3A_131 : i32 to vector<4x128xi32>
    %lt3A_232 = arith.cmpi slt, %select_n3A_230, %lt3A_231 : vector<4x128xi32>
    %convert_element_type3A_233 = arith.extui %lt3A_232 : vector<4x128xi1> to vector<4x128xi32>
    %reduce_sum3A_234 = vector.shape_cast %convert_element_type3A_233 : vector<4x128xi32> to vector<1x4x128xi32>
    %reduce_sum3A_235 = arith.constant dense<0> : vector<1xi32>
    %reduce_sum3A_236 = vector.multi_reduction <add>, %reduce_sum3A_234, %reduce_sum3A_235 [1, 2] : vector<1x4x128xi32> to vector<1xi32>
    %reduce_sum3A_237 = vector.shape_cast %reduce_sum3A_236 : vector<1xi32> to vector<1x1x1xi32>
    %reduce_sum3A_238 = vector.extract %reduce_sum3A_237[0, 0, 0] : i32 from vector<1x1x1xi32>
    %sub3A_239 = arith.constant 511 : i32
    %sub3A_240 = arith.subi %sub3A_239, %reduce_sum3A_238 : i32
    %select_n3A_241 = arith.select %eq3A_23, %sub3A_240, %reduce_sum3A_238 : i32
    %shift_left3A = arith.constant 9 : i32
    %shift_left3A_242 = arith.shli %squeeze3A_10, %shift_left3A : i32
    %or3A = arith.ori %shift_left3A_242, %select_n3A_129 : i32
    %shift_left3A_243 = arith.constant 9 : i32
    %shift_left3A_244 = arith.shli %squeeze3A_12, %shift_left3A_243 : i32
    %or3A_245 = arith.ori %shift_left3A_244, %select_n3A_241 : i32
    %bitcast_convert_type3A = arith.bitcast %or3A : i32 to f32
    %bitcast_convert_type3A_246 = arith.bitcast %or3A_245 : i32 to f32
    %get3A_247 = arith.constant 0 : index
    %get3A_248 = arith.constant 0 : index
    %get3A_249 = vector.load %arg2[%get3A_247, %get3A_248] : memref<2048x2048xf32, #tpu.memory_space<vmem>>, vector<2048x2048xf32>
    %abs3A = math.absf %get3A_249 : vector<2048x2048xf32>
    %reduce_sum3A_250 = vector.shape_cast %abs3A : vector<2048x2048xf32> to vector<1x2048x2048xf32>
    %reduce_sum3A_251 = arith.constant dense<0.000000e+00> : vector<1xf32>
    %reduce_sum3A_252 = vector.multi_reduction <add>, %reduce_sum3A_250, %reduce_sum3A_251 [1, 2] : vector<1x2048x2048xf32> to vector<1xf32>
    %reduce_sum3A_253 = vector.shape_cast %reduce_sum3A_252 : vector<1xf32> to vector<1x1x1xf32>
    %reduce_sum3A_254 = vector.extract %reduce_sum3A_253[0, 0, 0] : f32 from vector<1x1x1xf32>
    %div3A = arith.constant 0x4A800000 : f32
    %div3A_255 = arith.divf %reduce_sum3A_254, %div3A : f32
    %mul3A = arith.mulf %get3A_249, %get3A_249 : vector<2048x2048xf32>
    %reduce_sum3A_256 = vector.shape_cast %mul3A : vector<2048x2048xf32> to vector<1x2048x2048xf32>
    %reduce_sum3A_257 = arith.constant dense<0.000000e+00> : vector<1xf32>
    %reduce_sum3A_258 = vector.multi_reduction <add>, %reduce_sum3A_256, %reduce_sum3A_257 [1, 2] : vector<1x2048x2048xf32> to vector<1xf32>
    %reduce_sum3A_259 = vector.shape_cast %reduce_sum3A_258 : vector<1xf32> to vector<1x1x1xf32>
    %reduce_sum3A_260 = vector.extract %reduce_sum3A_259[0, 0, 0] : f32 from vector<1x1x1xf32>
    %div3A_261 = arith.constant 0x4A800000 : f32
    %div3A_262 = arith.divf %reduce_sum3A_260, %div3A_261 : f32
    %sqrt3A = math.sqrt %div3A_262 : f32
    %mul3A_263 = arith.constant -1.280000e+01 : f32
    %mul3A_264 = arith.mulf %mul3A_263, %div3A_255 : f32
    %mul3A_265 = arith.constant 1.268000e+01 : f32
    %mul3A_266 = arith.mulf %mul3A_265, %sqrt3A : f32
    %add3A_267 = arith.addf %mul3A_264, %mul3A_266 : f32
    %iota3A = tpu.iota {dimensions = array<i32: 0>} : vector<8x128xi32>
    %iota3A_268 = tpu.iota {dimensions = array<i32: 1>} : vector<8x128xi32>
    %eq3A_269 = arith.constant 0 : i32
    %eq3A_270 = vector.broadcast %eq3A_269 : i32 to vector<8x128xi32>
    %eq3A_271 = arith.cmpi eq, %iota3A_268, %eq3A_270 : vector<8x128xi32>
    %eq3A_272 = arith.constant 1 : i32
    %eq3A_273 = vector.broadcast %eq3A_272 : i32 to vector<8x128xi32>
    %eq3A_274 = arith.cmpi eq, %iota3A_268, %eq3A_273 : vector<8x128xi32>
    %broadcast_in_dim3A_275 = vector.broadcast %bitcast_convert_type3A : f32 to vector<8x128xf32>
    %broadcast_in_dim3A_276 = vector.broadcast %add3A_267 : f32 to vector<8x128xf32>
    %select_n3A_277 = arith.select %eq3A_274, %broadcast_in_dim3A_275, %broadcast_in_dim3A_276 : vector<8x128xi1>, vector<8x128xf32>
    %broadcast_in_dim3A_278 = vector.broadcast %bitcast_convert_type3A_246 : f32 to vector<8x128xf32>
    %select_n3A_279 = arith.select %eq3A_271, %broadcast_in_dim3A_278, %select_n3A_277 : vector<8x128xi1>, vector<8x128xf32>
    %eq3A_280 = arith.constant 0 : i32
    %eq3A_281 = vector.broadcast %eq3A_280 : i32 to vector<8x128xi32>
    %eq3A_282 = arith.cmpi eq, %iota3A, %eq3A_281 : vector<8x128xi32>
    %lt3A_283 = arith.constant 3 : i32
    %lt3A_284 = vector.broadcast %lt3A_283 : i32 to vector<8x128xi32>
    %lt3A_285 = arith.cmpi slt, %iota3A_268, %lt3A_284 : vector<8x128xi32>
    %and3A = arith.andi %eq3A_282, %lt3A_285 : vector<8x128xi1>
    %jit3A = arith.constant 0.000000e+00 : f32
    %broadcast_in_dim3A_286 = vector.broadcast %jit3A : f32 to vector<8x128xf32>
    %select_n3A_287 = arith.select %and3A, %select_n3A_279, %broadcast_in_dim3A_286 : vector<8x128xi1>, vector<8x128xf32>
    %swap3A = arith.constant 0 : index
    %swap3A_288 = arith.constant 0 : index
    %swap3A_289 = vector.load %arg3[%swap3A, %swap3A_288] : memref<8x128xf32, #tpu.memory_space<vmem>>, vector<8x128xf32>
    tpu.vector_store %arg3[%swap3A, %swap3A_288], %select_n3A_287 {strides = array<i32>} : memref<8x128xf32, #tpu.memory_space<vmem>>, vector<8x128xf32>,
    return
  }
}

module attributes {stable_mosaic.version = 14 : i64} {
  func.func @_glue2_body(%arg0: memref<32x2064xi32, #tpu.memory_space<vmem>>, %arg1: memref<8x16xi32, #tpu.memory_space<vmem>>, %arg2: memref<8x16xi32, #tpu.memory_space<vmem>>) attributes {dimension_semantics = [], scalar_prefetch = 0 : i64, scratch_operands = 0 : i64, tpu.core_type = #tpu.core_type<tc>} {
    %get3A = arith.constant 0 : index
    %get3A_0 = arith.constant 0 : index
    %get3A_1 = vector.load %arg0[%get3A, %get3A_0] : memref<32x2064xi32, #tpu.memory_space<vmem>>, vector<32x2064xi32>
    %get3A_2 = arith.constant 0 : index
    %get3A_3 = arith.constant 0 : index
    %get3A_4 = vector.load %arg1[%get3A_2, %get3A_3] : memref<8x16xi32, #tpu.memory_space<vmem>>, vector<8x16xi32>
    %slice3A = vector.extract_strided_slice %get3A_1 {offsets = [0, 0], sizes = [32, 2048], strides = [1, 1]} : vector<32x2064xi32> to vector<32x2048xi32>
    %reshape3A = vector.shape_cast %slice3A : vector<32x2048xi32> to vector<32x2x8x128xi32>
    %reduce_sum3A = arith.constant dense<0> : vector<2x8x128xi32>
    %reduce_sum3A_5 = vector.multi_reduction <add>, %reshape3A, %reduce_sum3A [0] : vector<32x2x8x128xi32> to vector<2x8x128xi32>
    %slice3A_6 = vector.extract_strided_slice %reduce_sum3A_5 {offsets = [0, 0, 0], sizes = [1, 8, 128], strides = [1, 1, 1]} : vector<2x8x128xi32> to vector<1x8x128xi32>
    %squeeze3A = vector.shape_cast %slice3A_6 : vector<1x8x128xi32> to vector<8x128xi32>
    %slice3A_7 = vector.extract_strided_slice %reduce_sum3A_5 {offsets = [1, 0, 0], sizes = [1, 8, 128], strides = [1, 1, 1]} : vector<2x8x128xi32> to vector<1x8x128xi32>
    %squeeze3A_8 = vector.shape_cast %slice3A_7 : vector<1x8x128xi32> to vector<8x128xi32>
    %slice3A_9 = vector.extract_strided_slice %get3A_4 {offsets = [0, 0], sizes = [1, 1], strides = [1, 1]} : vector<8x16xi32> to vector<1x1xi32>
    %squeeze3A_10 = vector.extract %slice3A_9[0, 0] : i32 from vector<1x1xi32>
    %slice3A_11 = vector.extract_strided_slice %get3A_4 {offsets = [1, 0], sizes = [1, 1], strides = [1, 1]} : vector<8x16xi32> to vector<1x1xi32>
    %squeeze3A_12 = vector.extract %slice3A_11[0, 0] : i32 from vector<1x1xi32>
    %slice3A_13 = vector.extract_strided_slice %get3A_4 {offsets = [2, 0], sizes = [1, 1], strides = [1, 1]} : vector<8x16xi32> to vector<1x1xi32>
    %squeeze3A_14 = vector.extract %slice3A_13[0, 0] : i32 from vector<1x1xi32>
    %slice3A_15 = vector.extract_strided_slice %get3A_4 {offsets = [3, 0], sizes = [1, 1], strides = [1, 1]} : vector<8x16xi32> to vector<1x1xi32>
    %squeeze3A_16 = vector.extract %slice3A_15[0, 0] : i32 from vector<1x1xi32>
    %eq3A = arith.cmpi eq, %squeeze3A_10, %squeeze3A_12 : i32
    %select_n3A = arith.select %eq3A, %squeeze3A, %squeeze3A_8 : vector<8x128xi32>
    %shift_right_logical3A = arith.constant 12 : i32
    %shift_right_logical3A_17 = arith.shrui %squeeze3A_10, %shift_right_logical3A : i32
    %eq3A_18 = arith.constant 1 : i32
    %eq3A_19 = arith.cmpi eq, %shift_right_logical3A_17, %eq3A_18 : i32
    %shift_right_logical3A_20 = arith.constant 12 : i32
    %shift_right_logical3A_21 = arith.shrui %squeeze3A_12, %shift_right_logical3A_20 : i32
    %eq3A_22 = arith.constant 1 : i32
    %eq3A_23 = arith.cmpi eq, %shift_right_logical3A_21, %eq3A_22 : i32
    %sub3A = arith.constant 16777 : i32
    %sub3A_24 = arith.subi %sub3A, %squeeze3A_14 : i32
    %slice3A_25 = vector.extract_strided_slice %squeeze3A {offsets = [0, 1], sizes = [8, 127], strides = [1, 1]} : vector<8x128xi32> to vector<8x127xi32>
    %broadcast_in_dim3A = arith.constant 0 : i32
    %broadcast_in_dim3A_26 = vector.broadcast %broadcast_in_dim3A : i32 to vector<8x1xi32>
    %concatenate3A = tpu.concatenate %slice3A_25, %broadcast_in_dim3A_26 in 1 : vector<8x127xi32>, vector<8x1xi32> -> vector<8x128xi32>
    %add3A = arith.addi %squeeze3A, %concatenate3A : vector<8x128xi32>
    %slice3A_27 = vector.extract_strided_slice %add3A {offsets = [0, 2], sizes = [8, 126], strides = [1, 1]} : vector<8x128xi32> to vector<8x126xi32>
    %broadcast_in_dim3A_28 = arith.constant 0 : i32
    %broadcast_in_dim3A_29 = vector.broadcast %broadcast_in_dim3A_28 : i32 to vector<8x2xi32>
    %concatenate3A_30 = tpu.concatenate %slice3A_27, %broadcast_in_dim3A_29 in 1 : vector<8x126xi32>, vector<8x2xi32> -> vector<8x128xi32>
    %add3A_31 = arith.addi %add3A, %concatenate3A_30 : vector<8x128xi32>
    %slice3A_32 = vector.extract_strided_slice %add3A_31 {offsets = [0, 4], sizes = [8, 124], strides = [1, 1]} : vector<8x128xi32> to vector<8x124xi32>
    %broadcast_in_dim3A_33 = arith.constant 0 : i32
    %broadcast_in_dim3A_34 = vector.broadcast %broadcast_in_dim3A_33 : i32 to vector<8x4xi32>
    %concatenate3A_35 = tpu.concatenate %slice3A_32, %broadcast_in_dim3A_34 in 1 : vector<8x124xi32>, vector<8x4xi32> -> vector<8x128xi32>
    %add3A_36 = arith.addi %add3A_31, %concatenate3A_35 : vector<8x128xi32>
    %slice3A_37 = vector.extract_strided_slice %add3A_36 {offsets = [0, 8], sizes = [8, 120], strides = [1, 1]} : vector<8x128xi32> to vector<8x120xi32>
    %broadcast_in_dim3A_38 = arith.constant 0 : i32
    %broadcast_in_dim3A_39 = vector.broadcast %broadcast_in_dim3A_38 : i32 to vector<8x8xi32>
    %concatenate3A_40 = tpu.concatenate %slice3A_37, %broadcast_in_dim3A_39 in 1 : vector<8x120xi32>, vector<8x8xi32> -> vector<8x128xi32>
    %add3A_41 = arith.addi %add3A_36, %concatenate3A_40 : vector<8x128xi32>
    %slice3A_42 = vector.extract_strided_slice %add3A_41 {offsets = [0, 16], sizes = [8, 112], strides = [1, 1]} : vector<8x128xi32> to vector<8x112xi32>
    %broadcast_in_dim3A_43 = arith.constant 0 : i32
    %broadcast_in_dim3A_44 = vector.broadcast %broadcast_in_dim3A_43 : i32 to vector<8x16xi32>
    %concatenate3A_45 = tpu.concatenate %slice3A_42, %broadcast_in_dim3A_44 in 1 : vector<8x112xi32>, vector<8x16xi32> -> vector<8x128xi32>
    %add3A_46 = arith.addi %add3A_41, %concatenate3A_45 : vector<8x128xi32>
    %slice3A_47 = vector.extract_strided_slice %add3A_46 {offsets = [0, 32], sizes = [8, 96], strides = [1, 1]} : vector<8x128xi32> to vector<8x96xi32>
    %broadcast_in_dim3A_48 = arith.constant 0 : i32
    %broadcast_in_dim3A_49 = vector.broadcast %broadcast_in_dim3A_48 : i32 to vector<8x32xi32>
    %concatenate3A_50 = tpu.concatenate %slice3A_47, %broadcast_in_dim3A_49 in 1 : vector<8x96xi32>, vector<8x32xi32> -> vector<8x128xi32>
    %add3A_51 = arith.addi %add3A_46, %concatenate3A_50 : vector<8x128xi32>
    %slice3A_52 = vector.extract_strided_slice %add3A_51 {offsets = [0, 64], sizes = [8, 64], strides = [1, 1]} : vector<8x128xi32> to vector<8x64xi32>
    %broadcast_in_dim3A_53 = arith.constant 0 : i32
    %broadcast_in_dim3A_54 = vector.broadcast %broadcast_in_dim3A_53 : i32 to vector<8x64xi32>
    %concatenate3A_55 = tpu.concatenate %slice3A_52, %broadcast_in_dim3A_54 in 1 : vector<8x64xi32>, vector<8x64xi32> -> vector<8x128xi32>
    %add3A_56 = arith.addi %add3A_51, %concatenate3A_55 : vector<8x128xi32>
    %slice3A_57 = vector.extract_strided_slice %add3A_56 {offsets = [0, 0], sizes = [8, 1], strides = [1, 1]} : vector<8x128xi32> to vector<8x1xi32>
    %slice3A_58 = vector.extract_strided_slice %slice3A_57 {offsets = [1, 0], sizes = [7, 1], strides = [1, 1]} : vector<8x1xi32> to vector<7x1xi32>
    %broadcast_in_dim3A_59 = arith.constant 0 : i32
    %broadcast_in_dim3A_60 = vector.broadcast %broadcast_in_dim3A_59 : i32 to vector<1x1xi32>
    %concatenate3A_61 = tpu.concatenate %slice3A_58, %broadcast_in_dim3A_60 in 0 : vector<7x1xi32>, vector<1x1xi32> -> vector<8x1xi32>
    %add3A_62 = arith.addi %slice3A_57, %concatenate3A_61 : vector<8x1xi32>
    %slice3A_63 = vector.extract_strided_slice %add3A_62 {offsets = [2, 0], sizes = [6, 1], strides = [1, 1]} : vector<8x1xi32> to vector<6x1xi32>
    %broadcast_in_dim3A_64 = arith.constant 0 : i32
    %broadcast_in_dim3A_65 = vector.broadcast %broadcast_in_dim3A_64 : i32 to vector<2x1xi32>
    %concatenate3A_66 = tpu.concatenate %slice3A_63, %broadcast_in_dim3A_65 in 0 : vector<6x1xi32>, vector<2x1xi32> -> vector<8x1xi32>
    %add3A_67 = arith.addi %add3A_62, %concatenate3A_66 : vector<8x1xi32>
    %slice3A_68 = vector.extract_strided_slice %add3A_67 {offsets = [4, 0], sizes = [4, 1], strides = [1, 1]} : vector<8x1xi32> to vector<4x1xi32>
    %broadcast_in_dim3A_69 = arith.constant 0 : i32
    %broadcast_in_dim3A_70 = vector.broadcast %broadcast_in_dim3A_69 : i32 to vector<4x1xi32>
    %concatenate3A_71 = tpu.concatenate %slice3A_68, %broadcast_in_dim3A_70 in 0 : vector<4x1xi32>, vector<4x1xi32> -> vector<8x1xi32>
    %add3A_72 = arith.addi %add3A_67, %concatenate3A_71 : vector<8x1xi32>
    %sub3A_73 = arith.subi %add3A_72, %slice3A_57 : vector<8x1xi32>
    %add3A_74 = vector.broadcast %sub3A_73 : vector<8x1xi32> to vector<8x128xi32>
    %add3A_75 = arith.addi %add3A_56, %add3A_74 : vector<8x128xi32>
    %broadcast_in_dim3A_76 = arith.constant 0 : i32
    %broadcast_in_dim3A_77 = vector.broadcast %broadcast_in_dim3A_76 : i32 to vector<8x1xi32>
    %slice3A_78 = vector.extract_strided_slice %squeeze3A {offsets = [0, 0], sizes = [8, 127], strides = [1, 1]} : vector<8x128xi32> to vector<8x127xi32>
    %concatenate3A_79 = tpu.concatenate %broadcast_in_dim3A_77, %slice3A_78 in 1 : vector<8x1xi32>, vector<8x127xi32> -> vector<8x128xi32>
    %add3A_80 = arith.addi %squeeze3A, %concatenate3A_79 : vector<8x128xi32>
    %broadcast_in_dim3A_81 = arith.constant 0 : i32
    %broadcast_in_dim3A_82 = vector.broadcast %broadcast_in_dim3A_81 : i32 to vector<8x2xi32>
    %slice3A_83 = vector.extract_strided_slice %add3A_80 {offsets = [0, 0], sizes = [8, 126], strides = [1, 1]} : vector<8x128xi32> to vector<8x126xi32>
    %concatenate3A_84 = tpu.concatenate %broadcast_in_dim3A_82, %slice3A_83 in 1 : vector<8x2xi32>, vector<8x126xi32> -> vector<8x128xi32>
    %add3A_85 = arith.addi %add3A_80, %concatenate3A_84 : vector<8x128xi32>
    %broadcast_in_dim3A_86 = arith.constant 0 : i32
    %broadcast_in_dim3A_87 = vector.broadcast %broadcast_in_dim3A_86 : i32 to vector<8x4xi32>
    %slice3A_88 = vector.extract_strided_slice %add3A_85 {offsets = [0, 0], sizes = [8, 124], strides = [1, 1]} : vector<8x128xi32> to vector<8x124xi32>
    %concatenate3A_89 = tpu.concatenate %broadcast_in_dim3A_87, %slice3A_88 in 1 : vector<8x4xi32>, vector<8x124xi32> -> vector<8x128xi32>
    %add3A_90 = arith.addi %add3A_85, %concatenate3A_89 : vector<8x128xi32>
    %broadcast_in_dim3A_91 = arith.constant 0 : i32
    %broadcast_in_dim3A_92 = vector.broadcast %broadcast_in_dim3A_91 : i32 to vector<8x8xi32>
    %slice3A_93 = vector.extract_strided_slice %add3A_90 {offsets = [0, 0], sizes = [8, 120], strides = [1, 1]} : vector<8x128xi32> to vector<8x120xi32>
    %concatenate3A_94 = tpu.concatenate %broadcast_in_dim3A_92, %slice3A_93 in 1 : vector<8x8xi32>, vector<8x120xi32> -> vector<8x128xi32>
    %add3A_95 = arith.addi %add3A_90, %concatenate3A_94 : vector<8x128xi32>
    %broadcast_in_dim3A_96 = arith.constant 0 : i32
    %broadcast_in_dim3A_97 = vector.broadcast %broadcast_in_dim3A_96 : i32 to vector<8x16xi32>
    %slice3A_98 = vector.extract_strided_slice %add3A_95 {offsets = [0, 0], sizes = [8, 112], strides = [1, 1]} : vector<8x128xi32> to vector<8x112xi32>
    %concatenate3A_99 = tpu.concatenate %broadcast_in_dim3A_97, %slice3A_98 in 1 : vector<8x16xi32>, vector<8x112xi32> -> vector<8x128xi32>
    %add3A_100 = arith.addi %add3A_95, %concatenate3A_99 : vector<8x128xi32>
    %broadcast_in_dim3A_101 = arith.constant 0 : i32
    %broadcast_in_dim3A_102 = vector.broadcast %broadcast_in_dim3A_101 : i32 to vector<8x32xi32>
    %slice3A_103 = vector.extract_strided_slice %add3A_100 {offsets = [0, 0], sizes = [8, 96], strides = [1, 1]} : vector<8x128xi32> to vector<8x96xi32>
    %concatenate3A_104 = tpu.concatenate %broadcast_in_dim3A_102, %slice3A_103 in 1 : vector<8x32xi32>, vector<8x96xi32> -> vector<8x128xi32>
    %add3A_105 = arith.addi %add3A_100, %concatenate3A_104 : vector<8x128xi32>
    %broadcast_in_dim3A_106 = arith.constant 0 : i32
    %broadcast_in_dim3A_107 = vector.broadcast %broadcast_in_dim3A_106 : i32 to vector<8x64xi32>
    %slice3A_108 = vector.extract_strided_slice %add3A_105 {offsets = [0, 0], sizes = [8, 64], strides = [1, 1]} : vector<8x128xi32> to vector<8x64xi32>
    %concatenate3A_109 = tpu.concatenate %broadcast_in_dim3A_107, %slice3A_108 in 1 : vector<8x64xi32>, vector<8x64xi32> -> vector<8x128xi32>
    %add3A_110 = arith.addi %add3A_105, %concatenate3A_109 : vector<8x128xi32>
    %slice3A_111 = vector.extract_strided_slice %add3A_110 {offsets = [0, 127], sizes = [8, 1], strides = [1, 1]} : vector<8x128xi32> to vector<8x1xi32>
    %broadcast_in_dim3A_112 = arith.constant 0 : i32
    %broadcast_in_dim3A_113 = vector.broadcast %broadcast_in_dim3A_112 : i32 to vector<1x1xi32>
    %slice3A_114 = vector.extract_strided_slice %slice3A_111 {offsets = [0, 0], sizes = [7, 1], strides = [1, 1]} : vector<8x1xi32> to vector<7x1xi32>
    %concatenate3A_115 = tpu.concatenate %broadcast_in_dim3A_113, %slice3A_114 in 0 : vector<1x1xi32>, vector<7x1xi32> -> vector<8x1xi32>
    %add3A_116 = arith.addi %slice3A_111, %concatenate3A_115 : vector<8x1xi32>
    %broadcast_in_dim3A_117 = arith.constant 0 : i32
    %broadcast_in_dim3A_118 = vector.broadcast %broadcast_in_dim3A_117 : i32 to vector<2x1xi32>
    %slice3A_119 = vector.extract_strided_slice %add3A_116 {offsets = [0, 0], sizes = [6, 1], strides = [1, 1]} : vector<8x1xi32> to vector<6x1xi32>
    %concatenate3A_120 = tpu.concatenate %broadcast_in_dim3A_118, %slice3A_119 in 0 : vector<2x1xi32>, vector<6x1xi32> -> vector<8x1xi32>
    %add3A_121 = arith.addi %add3A_116, %concatenate3A_120 : vector<8x1xi32>
    %broadcast_in_dim3A_122 = arith.constant 0 : i32
    %broadcast_in_dim3A_123 = vector.broadcast %broadcast_in_dim3A_122 : i32 to vector<4x1xi32>
    %slice3A_124 = vector.extract_strided_slice %add3A_121 {offsets = [0, 0], sizes = [4, 1], strides = [1, 1]} : vector<8x1xi32> to vector<4x1xi32>
    %concatenate3A_125 = tpu.concatenate %broadcast_in_dim3A_123, %slice3A_124 in 0 : vector<4x1xi32>, vector<4x1xi32> -> vector<8x1xi32>
    %add3A_126 = arith.addi %add3A_121, %concatenate3A_125 : vector<8x1xi32>
    %sub3A_127 = arith.subi %add3A_126, %slice3A_111 : vector<8x1xi32>
    %add3A_128 = vector.broadcast %sub3A_127 : vector<8x1xi32> to vector<8x128xi32>
    %add3A_129 = arith.addi %add3A_110, %add3A_128 : vector<8x128xi32>
    %select_n3A_130 = arith.select %eq3A_19, %add3A_75, %add3A_129 : vector<8x128xi32>
    %lt3A = vector.broadcast %sub3A_24 : i32 to vector<8x128xi32>
    %lt3A_131 = arith.cmpi slt, %select_n3A_130, %lt3A : vector<8x128xi32>
    %convert_element_type3A = arith.extui %lt3A_131 : vector<8x128xi1> to vector<8x128xi32>
    %reduce_sum3A_132 = vector.shape_cast %convert_element_type3A : vector<8x128xi32> to vector<1x8x128xi32>
    %reduce_sum3A_133 = arith.constant dense<0> : vector<1xi32>
    %reduce_sum3A_134 = vector.multi_reduction <add>, %reduce_sum3A_132, %reduce_sum3A_133 [1, 2] : vector<1x8x128xi32> to vector<1xi32>
    %reduce_sum3A_135 = vector.shape_cast %reduce_sum3A_134 : vector<1xi32> to vector<1x1x1xi32>
    %reduce_sum3A_136 = vector.extract %reduce_sum3A_135[0, 0, 0] : i32 from vector<1x1x1xi32>
    %lt3A_137 = vector.broadcast %sub3A_24 : i32 to vector<8x128xi32>
    %lt3A_138 = arith.cmpi slt, %select_n3A_130, %lt3A_137 : vector<8x128xi32>
    %jit3A = arith.constant 0 : i32
    %broadcast_in_dim3A_139 = vector.broadcast %jit3A : i32 to vector<8x128xi32>
    %select_n3A_140 = arith.select %lt3A_138, %select_n3A_130, %broadcast_in_dim3A_139 : vector<8x128xi1>, vector<8x128xi32>
    %reduce_max3A = vector.shape_cast %select_n3A_140 : vector<8x128xi32> to vector<1x8x128xi32>
    %reduce_max3A_141 = arith.constant dense<-2147483648> : vector<1xi32>
    %reduce_max3A_142 = vector.multi_reduction <maxsi>, %reduce_max3A, %reduce_max3A_141 [1, 2] : vector<1x8x128xi32> to vector<1xi32>
    %reduce_max3A_143 = vector.shape_cast %reduce_max3A_142 : vector<1xi32> to vector<1x1x1xi32>
    %reduce_max3A_144 = vector.extract %reduce_max3A_143[0, 0, 0] : i32 from vector<1x1x1xi32>
    %sub3A_145 = arith.constant 1023 : i32
    %sub3A_146 = arith.subi %sub3A_145, %reduce_sum3A_136 : i32
    %select_n3A_147 = arith.select %eq3A_19, %sub3A_146, %reduce_sum3A_136 : i32
    %sub3A_148 = arith.constant 16760438 : i32
    %sub3A_149 = arith.subi %sub3A_148, %squeeze3A_16 : i32
    %slice3A_150 = vector.extract_strided_slice %select_n3A {offsets = [0, 1], sizes = [8, 127], strides = [1, 1]} : vector<8x128xi32> to vector<8x127xi32>
    %broadcast_in_dim3A_151 = arith.constant 0 : i32
    %broadcast_in_dim3A_152 = vector.broadcast %broadcast_in_dim3A_151 : i32 to vector<8x1xi32>
    %concatenate3A_153 = tpu.concatenate %slice3A_150, %broadcast_in_dim3A_152 in 1 : vector<8x127xi32>, vector<8x1xi32> -> vector<8x128xi32>
    %add3A_154 = arith.addi %select_n3A, %concatenate3A_153 : vector<8x128xi32>
    %slice3A_155 = vector.extract_strided_slice %add3A_154 {offsets = [0, 2], sizes = [8, 126], strides = [1, 1]} : vector<8x128xi32> to vector<8x126xi32>
    %broadcast_in_dim3A_156 = arith.constant 0 : i32
    %broadcast_in_dim3A_157 = vector.broadcast %broadcast_in_dim3A_156 : i32 to vector<8x2xi32>
    %concatenate3A_158 = tpu.concatenate %slice3A_155, %broadcast_in_dim3A_157 in 1 : vector<8x126xi32>, vector<8x2xi32> -> vector<8x128xi32>
    %add3A_159 = arith.addi %add3A_154, %concatenate3A_158 : vector<8x128xi32>
    %slice3A_160 = vector.extract_strided_slice %add3A_159 {offsets = [0, 4], sizes = [8, 124], strides = [1, 1]} : vector<8x128xi32> to vector<8x124xi32>
    %broadcast_in_dim3A_161 = arith.constant 0 : i32
    %broadcast_in_dim3A_162 = vector.broadcast %broadcast_in_dim3A_161 : i32 to vector<8x4xi32>
    %concatenate3A_163 = tpu.concatenate %slice3A_160, %broadcast_in_dim3A_162 in 1 : vector<8x124xi32>, vector<8x4xi32> -> vector<8x128xi32>
    %add3A_164 = arith.addi %add3A_159, %concatenate3A_163 : vector<8x128xi32>
    %slice3A_165 = vector.extract_strided_slice %add3A_164 {offsets = [0, 8], sizes = [8, 120], strides = [1, 1]} : vector<8x128xi32> to vector<8x120xi32>
    %broadcast_in_dim3A_166 = arith.constant 0 : i32
    %broadcast_in_dim3A_167 = vector.broadcast %broadcast_in_dim3A_166 : i32 to vector<8x8xi32>
    %concatenate3A_168 = tpu.concatenate %slice3A_165, %broadcast_in_dim3A_167 in 1 : vector<8x120xi32>, vector<8x8xi32> -> vector<8x128xi32>
    %add3A_169 = arith.addi %add3A_164, %concatenate3A_168 : vector<8x128xi32>
    %slice3A_170 = vector.extract_strided_slice %add3A_169 {offsets = [0, 16], sizes = [8, 112], strides = [1, 1]} : vector<8x128xi32> to vector<8x112xi32>
    %broadcast_in_dim3A_171 = arith.constant 0 : i32
    %broadcast_in_dim3A_172 = vector.broadcast %broadcast_in_dim3A_171 : i32 to vector<8x16xi32>
    %concatenate3A_173 = tpu.concatenate %slice3A_170, %broadcast_in_dim3A_172 in 1 : vector<8x112xi32>, vector<8x16xi32> -> vector<8x128xi32>
    %add3A_174 = arith.addi %add3A_169, %concatenate3A_173 : vector<8x128xi32>
    %slice3A_175 = vector.extract_strided_slice %add3A_174 {offsets = [0, 32], sizes = [8, 96], strides = [1, 1]} : vector<8x128xi32> to vector<8x96xi32>
    %broadcast_in_dim3A_176 = arith.constant 0 : i32
    %broadcast_in_dim3A_177 = vector.broadcast %broadcast_in_dim3A_176 : i32 to vector<8x32xi32>
    %concatenate3A_178 = tpu.concatenate %slice3A_175, %broadcast_in_dim3A_177 in 1 : vector<8x96xi32>, vector<8x32xi32> -> vector<8x128xi32>
    %add3A_179 = arith.addi %add3A_174, %concatenate3A_178 : vector<8x128xi32>
    %slice3A_180 = vector.extract_strided_slice %add3A_179 {offsets = [0, 64], sizes = [8, 64], strides = [1, 1]} : vector<8x128xi32> to vector<8x64xi32>
    %broadcast_in_dim3A_181 = arith.constant 0 : i32
    %broadcast_in_dim3A_182 = vector.broadcast %broadcast_in_dim3A_181 : i32 to vector<8x64xi32>
    %concatenate3A_183 = tpu.concatenate %slice3A_180, %broadcast_in_dim3A_182 in 1 : vector<8x64xi32>, vector<8x64xi32> -> vector<8x128xi32>
    %add3A_184 = arith.addi %add3A_179, %concatenate3A_183 : vector<8x128xi32>
    %slice3A_185 = vector.extract_strided_slice %add3A_184 {offsets = [0, 0], sizes = [8, 1], strides = [1, 1]} : vector<8x128xi32> to vector<8x1xi32>
    %slice3A_186 = vector.extract_strided_slice %slice3A_185 {offsets = [1, 0], sizes = [7, 1], strides = [1, 1]} : vector<8x1xi32> to vector<7x1xi32>
    %broadcast_in_dim3A_187 = arith.constant 0 : i32
    %broadcast_in_dim3A_188 = vector.broadcast %broadcast_in_dim3A_187 : i32 to vector<1x1xi32>
    %concatenate3A_189 = tpu.concatenate %slice3A_186, %broadcast_in_dim3A_188 in 0 : vector<7x1xi32>, vector<1x1xi32> -> vector<8x1xi32>
    %add3A_190 = arith.addi %slice3A_185, %concatenate3A_189 : vector<8x1xi32>
    %slice3A_191 = vector.extract_strided_slice %add3A_190 {offsets = [2, 0], sizes = [6, 1], strides = [1, 1]} : vector<8x1xi32> to vector<6x1xi32>
    %broadcast_in_dim3A_192 = arith.constant 0 : i32
    %broadcast_in_dim3A_193 = vector.broadcast %broadcast_in_dim3A_192 : i32 to vector<2x1xi32>
    %concatenate3A_194 = tpu.concatenate %slice3A_191, %broadcast_in_dim3A_193 in 0 : vector<6x1xi32>, vector<2x1xi32> -> vector<8x1xi32>
    %add3A_195 = arith.addi %add3A_190, %concatenate3A_194 : vector<8x1xi32>
    %slice3A_196 = vector.extract_strided_slice %add3A_195 {offsets = [4, 0], sizes = [4, 1], strides = [1, 1]} : vector<8x1xi32> to vector<4x1xi32>
    %broadcast_in_dim3A_197 = arith.constant 0 : i32
    %broadcast_in_dim3A_198 = vector.broadcast %broadcast_in_dim3A_197 : i32 to vector<4x1xi32>
    %concatenate3A_199 = tpu.concatenate %slice3A_196, %broadcast_in_dim3A_198 in 0 : vector<4x1xi32>, vector<4x1xi32> -> vector<8x1xi32>
    %add3A_200 = arith.addi %add3A_195, %concatenate3A_199 : vector<8x1xi32>
    %sub3A_201 = arith.subi %add3A_200, %slice3A_185 : vector<8x1xi32>
    %add3A_202 = vector.broadcast %sub3A_201 : vector<8x1xi32> to vector<8x128xi32>
    %add3A_203 = arith.addi %add3A_184, %add3A_202 : vector<8x128xi32>
    %broadcast_in_dim3A_204 = arith.constant 0 : i32
    %broadcast_in_dim3A_205 = vector.broadcast %broadcast_in_dim3A_204 : i32 to vector<8x1xi32>
    %slice3A_206 = vector.extract_strided_slice %select_n3A {offsets = [0, 0], sizes = [8, 127], strides = [1, 1]} : vector<8x128xi32> to vector<8x127xi32>
    %concatenate3A_207 = tpu.concatenate %broadcast_in_dim3A_205, %slice3A_206 in 1 : vector<8x1xi32>, vector<8x127xi32> -> vector<8x128xi32>
    %add3A_208 = arith.addi %select_n3A, %concatenate3A_207 : vector<8x128xi32>
    %broadcast_in_dim3A_209 = arith.constant 0 : i32
    %broadcast_in_dim3A_210 = vector.broadcast %broadcast_in_dim3A_209 : i32 to vector<8x2xi32>
    %slice3A_211 = vector.extract_strided_slice %add3A_208 {offsets = [0, 0], sizes = [8, 126], strides = [1, 1]} : vector<8x128xi32> to vector<8x126xi32>
    %concatenate3A_212 = tpu.concatenate %broadcast_in_dim3A_210, %slice3A_211 in 1 : vector<8x2xi32>, vector<8x126xi32> -> vector<8x128xi32>
    %add3A_213 = arith.addi %add3A_208, %concatenate3A_212 : vector<8x128xi32>
    %broadcast_in_dim3A_214 = arith.constant 0 : i32
    %broadcast_in_dim3A_215 = vector.broadcast %broadcast_in_dim3A_214 : i32 to vector<8x4xi32>
    %slice3A_216 = vector.extract_strided_slice %add3A_213 {offsets = [0, 0], sizes = [8, 124], strides = [1, 1]} : vector<8x128xi32> to vector<8x124xi32>
    %concatenate3A_217 = tpu.concatenate %broadcast_in_dim3A_215, %slice3A_216 in 1 : vector<8x4xi32>, vector<8x124xi32> -> vector<8x128xi32>
    %add3A_218 = arith.addi %add3A_213, %concatenate3A_217 : vector<8x128xi32>
    %broadcast_in_dim3A_219 = arith.constant 0 : i32
    %broadcast_in_dim3A_220 = vector.broadcast %broadcast_in_dim3A_219 : i32 to vector<8x8xi32>
    %slice3A_221 = vector.extract_strided_slice %add3A_218 {offsets = [0, 0], sizes = [8, 120], strides = [1, 1]} : vector<8x128xi32> to vector<8x120xi32>
    %concatenate3A_222 = tpu.concatenate %broadcast_in_dim3A_220, %slice3A_221 in 1 : vector<8x8xi32>, vector<8x120xi32> -> vector<8x128xi32>
    %add3A_223 = arith.addi %add3A_218, %concatenate3A_222 : vector<8x128xi32>
    %broadcast_in_dim3A_224 = arith.constant 0 : i32
    %broadcast_in_dim3A_225 = vector.broadcast %broadcast_in_dim3A_224 : i32 to vector<8x16xi32>
    %slice3A_226 = vector.extract_strided_slice %add3A_223 {offsets = [0, 0], sizes = [8, 112], strides = [1, 1]} : vector<8x128xi32> to vector<8x112xi32>
    %concatenate3A_227 = tpu.concatenate %broadcast_in_dim3A_225, %slice3A_226 in 1 : vector<8x16xi32>, vector<8x112xi32> -> vector<8x128xi32>
    %add3A_228 = arith.addi %add3A_223, %concatenate3A_227 : vector<8x128xi32>
    %broadcast_in_dim3A_229 = arith.constant 0 : i32
    %broadcast_in_dim3A_230 = vector.broadcast %broadcast_in_dim3A_229 : i32 to vector<8x32xi32>
    %slice3A_231 = vector.extract_strided_slice %add3A_228 {offsets = [0, 0], sizes = [8, 96], strides = [1, 1]} : vector<8x128xi32> to vector<8x96xi32>
    %concatenate3A_232 = tpu.concatenate %broadcast_in_dim3A_230, %slice3A_231 in 1 : vector<8x32xi32>, vector<8x96xi32> -> vector<8x128xi32>
    %add3A_233 = arith.addi %add3A_228, %concatenate3A_232 : vector<8x128xi32>
    %broadcast_in_dim3A_234 = arith.constant 0 : i32
    %broadcast_in_dim3A_235 = vector.broadcast %broadcast_in_dim3A_234 : i32 to vector<8x64xi32>
    %slice3A_236 = vector.extract_strided_slice %add3A_233 {offsets = [0, 0], sizes = [8, 64], strides = [1, 1]} : vector<8x128xi32> to vector<8x64xi32>
    %concatenate3A_237 = tpu.concatenate %broadcast_in_dim3A_235, %slice3A_236 in 1 : vector<8x64xi32>, vector<8x64xi32> -> vector<8x128xi32>
    %add3A_238 = arith.addi %add3A_233, %concatenate3A_237 : vector<8x128xi32>
    %slice3A_239 = vector.extract_strided_slice %add3A_238 {offsets = [0, 127], sizes = [8, 1], strides = [1, 1]} : vector<8x128xi32> to vector<8x1xi32>
    %broadcast_in_dim3A_240 = arith.constant 0 : i32
    %broadcast_in_dim3A_241 = vector.broadcast %broadcast_in_dim3A_240 : i32 to vector<1x1xi32>
    %slice3A_242 = vector.extract_strided_slice %slice3A_239 {offsets = [0, 0], sizes = [7, 1], strides = [1, 1]} : vector<8x1xi32> to vector<7x1xi32>
    %concatenate3A_243 = tpu.concatenate %broadcast_in_dim3A_241, %slice3A_242 in 0 : vector<1x1xi32>, vector<7x1xi32> -> vector<8x1xi32>
    %add3A_244 = arith.addi %slice3A_239, %concatenate3A_243 : vector<8x1xi32>
    %broadcast_in_dim3A_245 = arith.constant 0 : i32
    %broadcast_in_dim3A_246 = vector.broadcast %broadcast_in_dim3A_245 : i32 to vector<2x1xi32>
    %slice3A_247 = vector.extract_strided_slice %add3A_244 {offsets = [0, 0], sizes = [6, 1], strides = [1, 1]} : vector<8x1xi32> to vector<6x1xi32>
    %concatenate3A_248 = tpu.concatenate %broadcast_in_dim3A_246, %slice3A_247 in 0 : vector<2x1xi32>, vector<6x1xi32> -> vector<8x1xi32>
    %add3A_249 = arith.addi %add3A_244, %concatenate3A_248 : vector<8x1xi32>
    %broadcast_in_dim3A_250 = arith.constant 0 : i32
    %broadcast_in_dim3A_251 = vector.broadcast %broadcast_in_dim3A_250 : i32 to vector<4x1xi32>
    %slice3A_252 = vector.extract_strided_slice %add3A_249 {offsets = [0, 0], sizes = [4, 1], strides = [1, 1]} : vector<8x1xi32> to vector<4x1xi32>
    %concatenate3A_253 = tpu.concatenate %broadcast_in_dim3A_251, %slice3A_252 in 0 : vector<4x1xi32>, vector<4x1xi32> -> vector<8x1xi32>
    %add3A_254 = arith.addi %add3A_249, %concatenate3A_253 : vector<8x1xi32>
    %sub3A_255 = arith.subi %add3A_254, %slice3A_239 : vector<8x1xi32>
    %add3A_256 = vector.broadcast %sub3A_255 : vector<8x1xi32> to vector<8x128xi32>
    %add3A_257 = arith.addi %add3A_238, %add3A_256 : vector<8x128xi32>
    %select_n3A_258 = arith.select %eq3A_23, %add3A_203, %add3A_257 : vector<8x128xi32>
    %lt3A_259 = vector.broadcast %sub3A_149 : i32 to vector<8x128xi32>
    %lt3A_260 = arith.cmpi slt, %select_n3A_258, %lt3A_259 : vector<8x128xi32>
    %convert_element_type3A_261 = arith.extui %lt3A_260 : vector<8x128xi1> to vector<8x128xi32>
    %reduce_sum3A_262 = vector.shape_cast %convert_element_type3A_261 : vector<8x128xi32> to vector<1x8x128xi32>
    %reduce_sum3A_263 = arith.constant dense<0> : vector<1xi32>
    %reduce_sum3A_264 = vector.multi_reduction <add>, %reduce_sum3A_262, %reduce_sum3A_263 [1, 2] : vector<1x8x128xi32> to vector<1xi32>
    %reduce_sum3A_265 = vector.shape_cast %reduce_sum3A_264 : vector<1xi32> to vector<1x1x1xi32>
    %reduce_sum3A_266 = vector.extract %reduce_sum3A_265[0, 0, 0] : i32 from vector<1x1x1xi32>
    %lt3A_267 = vector.broadcast %sub3A_149 : i32 to vector<8x128xi32>
    %lt3A_268 = arith.cmpi slt, %select_n3A_258, %lt3A_267 : vector<8x128xi32>
    %jit3A_269 = arith.constant 0 : i32
    %broadcast_in_dim3A_270 = vector.broadcast %jit3A_269 : i32 to vector<8x128xi32>
    %select_n3A_271 = arith.select %lt3A_268, %select_n3A_258, %broadcast_in_dim3A_270 : vector<8x128xi1>, vector<8x128xi32>
    %reduce_max3A_272 = vector.shape_cast %select_n3A_271 : vector<8x128xi32> to vector<1x8x128xi32>
    %reduce_max3A_273 = arith.constant dense<-2147483648> : vector<1xi32>
    %reduce_max3A_274 = vector.multi_reduction <maxsi>, %reduce_max3A_272, %reduce_max3A_273 [1, 2] : vector<1x8x128xi32> to vector<1xi32>
    %reduce_max3A_275 = vector.shape_cast %reduce_max3A_274 : vector<1xi32> to vector<1x1x1xi32>
    %reduce_max3A_276 = vector.extract %reduce_max3A_275[0, 0, 0] : i32 from vector<1x1x1xi32>
    %sub3A_277 = arith.constant 1023 : i32
    %sub3A_278 = arith.subi %sub3A_277, %reduce_sum3A_266 : i32
    %select_n3A_279 = arith.select %eq3A_23, %sub3A_278, %reduce_sum3A_266 : i32
    %shift_left3A = arith.constant 10 : i32
    %shift_left3A_280 = arith.shli %squeeze3A_10, %shift_left3A : i32
    %or3A = arith.ori %shift_left3A_280, %select_n3A_147 : i32
    %shift_left3A_281 = arith.constant 10 : i32
    %shift_left3A_282 = arith.shli %squeeze3A_12, %shift_left3A_281 : i32
    %or3A_283 = arith.ori %shift_left3A_282, %select_n3A_279 : i32
    %add3A_284 = arith.addi %squeeze3A_14, %reduce_max3A_144 : i32
    %add3A_285 = arith.addi %squeeze3A_16, %reduce_max3A_276 : i32
    %broadcast_in_dim3A_286 = arith.constant 0 : i32
    %broadcast_in_dim3A_287 = vector.broadcast %broadcast_in_dim3A_286 : i32 to vector<16xi32>
    %broadcast_in_dim3A_288 = vector.broadcast %or3A : i32 to vector<16xi32>
    %broadcast_in_dim3A_289 = vector.broadcast %or3A_283 : i32 to vector<16xi32>
    %broadcast_in_dim3A_290 = vector.broadcast %add3A_284 : i32 to vector<16xi32>
    %broadcast_in_dim3A_291 = vector.broadcast %add3A_285 : i32 to vector<16xi32>
    %stack3A = vector.shape_cast %broadcast_in_dim3A_288 : vector<16xi32> to vector<1x16xi32>
    %stack3A_292 = vector.shape_cast %broadcast_in_dim3A_289 : vector<16xi32> to vector<1x16xi32>
    %stack3A_293 = vector.shape_cast %broadcast_in_dim3A_290 : vector<16xi32> to vector<1x16xi32>
    %stack3A_294 = vector.shape_cast %broadcast_in_dim3A_291 : vector<16xi32> to vector<1x16xi32>
    %stack3A_295 = vector.shape_cast %broadcast_in_dim3A_287 : vector<16xi32> to vector<1x16xi32>
    %stack3A_296 = vector.shape_cast %broadcast_in_dim3A_287 : vector<16xi32> to vector<1x16xi32>
    %stack3A_297 = vector.shape_cast %broadcast_in_dim3A_287 : vector<16xi32> to vector<1x16xi32>
    %stack3A_298 = vector.shape_cast %broadcast_in_dim3A_287 : vector<16xi32> to vector<1x16xi32>
    %stack3A_299 = tpu.concatenate %stack3A, %stack3A_292, %stack3A_293, %stack3A_294, %stack3A_295, %stack3A_296, %stack3A_297, %stack3A_298 in 0 : vector<1x16xi32>, vector<1x16xi32>, vector<1x16xi32>, vector<1x16xi32>, vector<1x16xi32>, vector<1x16xi32>, vector<1x16xi32>, vector<1x16xi32> -> vector<8x16xi32>
    %swap3A = arith.constant 0 : index
    %swap3A_300 = arith.constant 0 : index
    %swap3A_301 = vector.load %arg2[%swap3A, %swap3A_300] : memref<8x16xi32, #tpu.memory_space<vmem>>, vector<8x16xi32>
    tpu.vector_store %arg2[%swap3A, %swap3A_300], %stack3A_299 {strides = array<i32>} : memref<8x16xi32, #tpu.memory_space<vmem>>, vector<8x16xi32>,
    return
  }
}

</mosaic_0001>

<sc_bundles>
// kernel: kernel.11.cloned.1.call-start
scs
__scs_entry_jumppad:
0x0: {  	(pc) =	sbr.rel $0x88, $3  }
0x1: {  	(tag) =	ssettag $0x0;
	lr =	simm.s32 $0x1  }
0x2: {  	[smem:$0x3F9F] =	sst lr;
	_ =	strace $0xD0000000  }
0x3: {  	_ = 	snop  }
0x4: {  	_ = 	snop  }
0x5: {  	_ = 	snop  }
0x6: {  	_ = 	snop  }
0x7: {  	_ = 	snop  }
__scs_overlays_trampoline_lowered:
0x8: {  	[smem:$0x3FAE] =	sst s0  }
0x9: {  	[smem:$0x3FAF] =	sst s1  }
0xa: {  	[smem:$0x3FB0] =	sst s2  }
0xb: {  	[smem:$0x3FB1] =	sst s3  }
0xc: {  	[smem:$0x3FB2] =	sst s4  }
0xd: {  	[smem:$0x3FB3] =	sst s5  }
0xe: {  	[smem:$0x3FB4] =	sst s6  }
0xf: {  	[smem:$0x3FB5] =	sst s7  }
0x10: {  	[smem:$0x3FB6] =	sst s8  }
0x11: {  	[smem:$0x3FB7] =	sst s9;
	s0 =	simm.s32 @!p0 $0x0  }
0x12: {  	s1 =	sld [smem:$0x3F9D];
	s0 =	simm.s32 @p0 $0x1  }
0x13: {  	[smem:$0x3FB8] =	sst s0;
	s0 =	simm.s32 @!p1 $0x0  }
0x14: {  	s2 =	sld [smem:$0x3F9C];
	s0 =	simm.s32 @p1 $0x1  }
0x15: {  	[smem:$0x3FB9] =	sst s0;
	s0 =	simm.s32 @!p2 $0x0  }
0x16: {  	s3 =	sld [smem:$0x3FDB];
	s0 =	simm.s32 @p2 $0x1  }
0x17: {  	s4 =	simm.s32 $0x1BF5;
	[smem:$0x3FBB] =	sst s0  }
0x18: {  	s0 =	sld [smem:$0x3F9E];
	_ =	swait.ge [sflag:s4], $0x0  }
0x19: {  	s7 =	sld [smem:$0x3F9F]  }
0x1a: {  	s8 =	sadd.s32 $0xFFFFE003, lr  }
0x1b: {  	s9 =	sadd.s32 $0xFFFFFEF7, lr;
	s5 =	simm.s32 $0xFFFFFFFF;
	p2 =	slt.u32 s8, $0xFFFFF086  }
0x1c: {  	p1 =	slt.u32 s9, $0xF7A;
	s5 =	simm.s32 @!p2 $0x0  }
0x1d: {  	s5 =	simm.s32 @p1 $0x1;
	p0 =	seq.s32 s7, s2  }
0x1e: {  	s7 =	smul.u32 @!p0 $0xF7A, s2;
	p2 =	seq.s32 @!p0 s5, $0x0  }
0x1f: {  	s9 =	smul.u32 $0xF7A, s1;
	s8 =	simm.s32 @!p0 $0x1BF5;
	p2 =	por !p2, p0  }
0x20: {  	[sflag:s8] =	ssyncset.s32 @!p0 $0xFFFFF086;
	s6 =	sadd.s32 @!p0 s3, s7;
	s7 =	simm.s32 @!p0 $0x108  }
0x21: {  	s3 =	sadd.s32 s3, s9;
	s6 =	sadd.s32 @!p0 $0x88, s6;
	s7 =	simm.s32 @p2 $0x1082  }
0x22: {  	[simem:s7], [sflag:s8] =	dma.local @!p0 [hbm:s6], $0xF7A  }
0x23: {  	s9 =	sor.u32 $0xD0000000, s2;
	s6 =	simm.s32 $0x108;
	_ =	swait.ge @!p0 [sflag:s8], $0x0  }
0x24: {  	s3 =	sadd.s32 $0x88, s3;
	s6 =	simm.s32 @!p1 $0x1082;
	[sflag:s4] =	ssyncset.s32 $0xFFFFF086  }
0x25: {  	[simem:s6], [sflag:s4] =	dma.local [hbm:s3], $0xF7A  }
0x26: {  	[smem:$0x3F9F] =	sst s1;
	(tag) =	ssettag s2;
	_ =	strace s9  }
0x27: {  	s1 =	sld [smem:$0x3FAF]  }
0x28: {  	s2 =	sld [smem:$0x3FB0]  }
0x29: {  	s4 =	sld [smem:$0x3FB2]  }
0x2a: {  	p0 =	seq.s32 s5, $0x0;
	s5 =	sld [smem:$0x3FB3]  }
0x2b: {  	s6 =	sld [smem:$0x3FB4]  }
0x2c: {  	s7 =	sld [smem:$0x3FB5]  }
0x2d: {  	s3 =	simm.s32 $0x108;
	s8 =	sld [smem:$0x3FB6]  }
0x2e: {  	s3 =	simm.s32 @!p0 $0x1082;
	s9 =	sld [smem:$0x3FB7]  }
0x2f: {  	lr =	sadd.s32 s0, s3;
	s0 =	sld [smem:$0x3FAE]  }
0x30: {  	s3 =	sld [smem:$0x3FB1]  }
0x31: {  	[smem:$0x3FBA] =	sst s10  }
0x32: {  	s10 =	sld [smem:$0x3FB8];
	_ =	sdelay $0x3  }
0x33: {  	p0 =	seq.s32 s10, $0x1;
	s10 =	sld [smem:$0x3FBA];
	_ =	sdelay $0x3  }
0x34: {  	[smem:$0x3FBA] =	sst s10  }
0x35: {  	s10 =	sld [smem:$0x3FB9];
	_ =	sdelay $0x3  }
0x36: {  	p1 =	seq.s32 s10, $0x1;
	s10 =	sld [smem:$0x3FBA];
	_ =	sdelay $0x3  }
0x37: {  	[smem:$0x3FBA] =	sst s10  }
0x38: {  	s10 =	sld [smem:$0x3FBB]  }
0x39: {  	_ = 	snop;
	(pc) =	sbr.ind lr, $3  }
0x3a: {  	_ = 	snop  }
0x3b: {  	_ = 	snop  }
0x3c: {  	p2 =	seq.s32 s10, $0x1;
	s10 =	sld [smem:$0x3FBA]  }
0x3d: {  	_ =	shalt  }
0x3e: {  	_ =	shalt  }
0x3f: {  	_ =	shalt  }
0x40: {  	_ =	shalt  }
0x41: {  	_ =	shalt  }
0x42: {  	_ =	shalt  }
0x43: {  	_ =	shalt  }
0x44: {  	_ =	shalt  }
0x45: {  	_ =	shalt  }
0x46: {  	_ =	shalt  }
0x47: {  	_ =	shalt  }
0x48: {  	_ =	shalt  }
0x49: {  	_ =	shalt  }
0x4a: {  	_ =	shalt  }
0x4b: {  	_ =	shalt  }
0x4c: {  	_ =	shalt  }
0x4d: {  	_ =	shalt  }
0x4e: {  	_ =	shalt  }
0x4f: {  	_ =	shalt  }
0x50: {  	_ =	shalt  }
0x51: {  	_ =	shalt  }
0x52: {  	_ =	shalt  }
0x53: {  	_ =	shalt  }
0x54: {  	_ =	shalt  }
0x55: {  	_ =	shalt  }
0x56: {  	_ =	shalt  }
0x57: {  	_ =	shalt  }
0x58: {  	_ =	shalt  }
0x59: {  	_ =	shalt  }
0x5a: {  	_ =	shalt  }
0x5b: {  	_ =	shalt  }
0x5c: {  	_ =	shalt  }
0x5d: {  	_ =	shalt  }
0x5e: {  	_ =	shalt  }
0x5f: {  	_ =	shalt  }
0x60: {  	_ =	shalt  }
0x61: {  	_ =	shalt  }
0x62: {  	_ =	shalt  }
0x63: {  	_ =	shalt  }
0x64: {  	_ =	shalt  }
0x65: {  	_ =	shalt  }
0x66: {  	_ =	shalt  }
0x67: {  	_ =	shalt  }
0x68: {  	_ =	shalt  }
0x69: {  	_ =	shalt  }
0x6a: {  	_ =	shalt  }
0x6b: {  	_ =	shalt  }
0x6c: {  	_ =	shalt  }
0x6d: {  	_ =	shalt  }
0x6e: {  	_ =	shalt  }
0x6f: {  	_ =	shalt  }
0x70: {  	_ =	shalt  }
0x71: {  	_ =	shalt  }
0x72: {  	_ =	shalt  }
0x73: {  	_ =	shalt  }
0x74: {  	_ =	shalt  }
0x75: {  	_ =	shalt  }
0x76: {  	_ =	shalt  }
0x77: {  	_ =	shalt  }
0x78: {  	_ =	shalt  }
0x79: {  	_ =	shalt  }
0x7a: {  	_ =	shalt  }
0x7b: {  	_ =	shalt  }
0x7c: {  	_ =	shalt  }
0x7d: {  	_ =	shalt  }
0x7e: {  	_ =	shalt  }
0x7f: {  	_ =	shalt  }
0x80: {  	_ =	shalt  }
0x81: {  	_ =	shalt  }
0x82: {  	_ =	shalt  }
0x83: {  	_ =	shalt  }
0x84: {  	_ =	shalt  }
0x85: {  	_ =	shalt  }
0x86: {  	_ =	shalt  }
0x87: {  	_ =	shalt  }
.Lfunc_end0:
.L_simem_size_0:
called_computation.1_lowered:
.L_overlay_start_0:
0x88: {  	s2 =	sld [smem:$0x3FD9]  }
0x89: {  	s3 =	sld [smem:$0x3FFE];
	_ =	sdelay $0x1  }
0x8a: {  	s1 =	srdreg.scid  }
0x8b: {  	s0 =	sand.u32 $0x1, s1  }
0x8c: {  	s17 =	sshll.u32 s0, $0xA;
	s2 =	sadd.s32 s3, s2  }
0x8d: {  	s2 =	sadd.s32 s2, s17  }
0x8e: {  	[smem:$0x3FC6] =	sst s2  }
0x8f: {  	_ = 	snop  }
0x90: {  	s2 =	sld [smem:$0x3FC9];
	(tm) =	ssettm $0x1  }
0x91: {  	s18 =	sld [smem:$0x3FFB];
	_ =	sdelay $0x3  }
0x92: {  	_ =	strace s18  }
0x93: {  	s3 =	sld [smem:$0x3FFC];
	_ =	sdelay $0x3  }
0x94: {  	_ =	strace s3  }
0x95: {  	s3 =	sld [smem:$0x3FFD];
	_ =	sdelay $0x3  }
0x96: {  	_ =	strace s3  }
0x97: {  	_ =	strace $0x8FFFFFFF  }
0x98: {  	s19 =	sld [smem:$0x3FDB];
	_ =	sdelay $0x1  }
0x99: {  	s4 =	simm.s32 $_scs_section_size  }
0x9a: {  	s5 =	simm.s32 $_size__tile_overlayer_lowered;
	s6 =	simm.s32 $_tile_overlayer_lowered  }
0x9b: {  	s22 =	simm.s32 $0x1BFF;
	s21 =	sshll.u32 s6, $0x1;
	s3 =	sadd.s32 s4, s19  }
0x9c: {  	s7 =	simm.s32 $0x0;
	s20 =	sshll.u32 s5, $0x1;
	s5 =	sadd.s32 s21, s3  }
0x9d: {  	[timem:s7], [sflag:s22] =	dma.local [hbm:s5], s20  }
0x9e: {  	_ =	swait.ge [sflag:s22], s20  }
0x9f: {  	s4 =	ssub.s32 $0x0, s20;
	[sflag:s22] =	ssyncset.done $0x0  }
0xa0: {  	[sflag:s22] =	ssyncadd.s32 s4;
	_ =	sdelay $0x1  }
0xa1: {  	s23 =	simm.s32 $0x1B8B  }
0xa2: {  	_ =	swait.ge [sflag:s23], $0x1  }
0xa3: {  	[sflag:s23] =	ssyncset.done $0x0  }
0xa4: {  	s25 =	simm.s32 $0x1B8E;
	s24 =	sld [smem:$0x3FFE];
	[sflag:s23] =	ssyncadd.s32 $0xFFFFFFFF  }
0xa5: {  	s26 =	simm.s32 $execute0_lowered;
	[smem:$0x3FD2] =	sst s25  }
0xa6: {  	s5 =	sshll.u32 s26, $0x1;
	_ =	strace $0x80000049;
	[dreg:$0x1] =	wrdreg $0xFFFFFFFF  }
0xa7: {  	s28 =	simm.s32 $_size_execute0_lowered;
	s3 =	sadd.s32 s3, s5;
	[dreg:$0x0] =	wrdreg $0x0  }
0xa8: {  	s5 =	sshll.u32 s28, $0x1;
	[dreg:$0x2] =	wrdreg s3  }
0xa9: {  	[dreg:$0x3] =	wrdreg s5  }
0xaa: {  	[dreg:$0x4] =	wrdreg $0xC0  }
0xab: {  	_ =	task [dreg:s7], $0x5FFFF  }
0xac: {  	[dreg:$0x1] =	wrdreg $0xFFFFFFFF  }
0xad: {  	[dreg:$0x0] =	wrdreg $0x60  }
0xae: {  	[dreg:$0x2] =	wrdreg s2  }
0xaf: {  	[dreg:$0x3] =	wrdreg s24  }
0xb0: {  	[dreg:$0x4] =	wrdreg $0x9  }
0xb1: {  	_ =	task.clear_ibuf [dreg:s7], $0x5FFFF;
	_ =	strace $0x90000049  }
0xb2: {  	s29 =	simm.s32 $0x9;
	_ =	strace $0x8000004B  }
0xb3: {  	_ =	swait.ge [sflag:s29], $0x1  }
0xb4: {  	[sflag:s29] =	ssyncadd.s32 $0xFFFFFFFF  }
0xb5: {  	_ =	strace $0x9000004B  }
0xb6: {  	_ =	sfence  }
0xb7: {  	s30 =	sld [smem:$0x0];
	_ =	sdelay $0x2  }
0xb8: {  	s31 =	sshll.u32 s1, $0xD;
	s1 =	sshrl.u32 s1, $0x2  }
0xb9: {  	s3 =	sand.u32 $0x4000, s31;
	s1 =	sadd.s32 s1, s30  }
0xba: {  	s0 =	sor.u32 s3, s0;
	s1 =	sshll.u32 s1, $0x11  }
0xbb: {  	s0 =	sor.u32 s1, s0  }
0xbc: {  	s0 =	sadd.s32 $0x8F2B, s0  }
0xbd: {  	[sflag:s0] =	ssyncadd.remote.s32 $0x1  }
0xbe: {  	_ =	sfence.sel $0xFFFF  }
0xbf: {  	[dreg:$0x0] =	wrdreg $0xFFFFFFFF;
	(pc) =	sbr.abs _section_cstart, $3  }
0xc0: {  	[dreg:$0x1] =	wrdreg $0xFFFFFFFF  }
0xc1: {  	_ =	task.clear_ibuf [dreg:s7], $0x2FFFF;
	_ =	strace $0x9FFFFFFF  }
0xc2: {  	(tm) =	ssettm $0x7FFFFFFF  }
0xc3: {  	_ =	shalt  }
tec
execute0_lowered:
.L_overlay_start_1:
0x0: {  	(tag) =	ssettag $0x1  }
0x1: {  	s0 =	rddreg [dreg:$0x0]  }
0x2: {  	s1 =	rddreg [dreg:$0x1];
	s2 =	srdreg.scid  }
0x3: {  	s6 =	stileid.u32;
	s28 =	simm.s32 $0x80;
	s29 =	simm.s32 $0x400  }
0x4: {  	s30 =	simm.s32 $0x10000;
	s31 =	simm.s32 $0x0;
	s4 =	sand.u32 $0x1, s2  }
0x5: {  	s3 =	sshll.u32 s6, $0x1;
	s2 =	simm.s32 $0x0;
	s20 =	sshrl.u32 s6, $0x2  }
0x6: {  	s5 =	sor.u32 s4, s3;
	[smem:$0x7FF] =	sst s2;
	s6 =	smul.u32 $0x4400, s20  }
0x7: {  	s3 =	sadd.s32 $0x2A00, s1;
	s21 =	ssub.s32 $0x2, s4;
	s20 =	sadd.s32 $0x2000, s0  }
0x8: {  	s7 =	sshll.u32 s5, $0x7;
	_ =	strace $0x8000004A;
	s19 =	sshll.u32 s5, $0x10  }
0x9: {  	s23 =	sshrl.u32 s21, $0x1;
	s7 =	sand.u32 $0x380, s7;
	s4 =	sadd.s32 s0, s19  }
0xa: {  	s0 =	sadd.s32 $0x3000, s0;
	s8 =	sadd.s32 s19, s20;
	s24 =	sor.u32 $0x2000, s19  }
0xb: {  	s13 =	sor.u32 $0x4000, s19;
	s25 =	sor.u32 $0x6000, s19;
	s17 =	sor.u32 $0x8000, s19  }
0xc: {  	s26 =	sor.u32 $0xA000, s19;
	s6 =	sor.u32 s6, s7;
	s7 =	ssub.s32 s21, s23  }
0xd: {  	s5 =	sadd.s32 $0x1000, s4;
	s9 =	sadd.s32 s19, s0;
	s10 =	sadd.s32 s24, s20  }
0xe: {  	s11 =	sadd.s32 s24, s0;
	s12 =	sadd.s32 s13, s20;
	s13 =	sadd.s32 s13, s0  }
0xf: {  	s14 =	sadd.s32 s25, s20;
	s15 =	sadd.s32 s25, s0;
	s16 =	sadd.s32 s17, s20  }
0x10: {  	s17 =	sadd.s32 s17, s0;
	s18 =	sadd.s32 s26, s20;
	s21 =	sor.u32 $0xC000, s19  }
0x11: {  	s19 =	sadd.s32 s26, s0;
	s23 =	simm.s32 $0x10880;
	s24 =	simm.s32 $0x3  }
0x12: {  	s25 =	simm.s32 $0x1;
	s26 =	simm.s32 $0x2;
	s22 =	sshrl.u32 s6, $0x3  }
0x13: {  	s7 =	smax.u32 s7, $0x1;
	s20 =	sadd.s32 s21, s20;
	s1 =	sadd.s32 s22, s1  }
0x14: {  	v0 =	vimm.s32 $0x0;
	s21 =	sadd.s32 s21, s0;
	s22 =	simm.s32 $0x8000;
	s6 =	sadd.s32 $0x2C00, s1  }
.LBB2_1:
0x15: {  	[tilespmem:s2], [sflag:$0x1] =	stream.linear.gather [hbm4b:s4+s2], $0x8000, $0x38;
	[tilespmem:$0x10C80] =	vst v63  }
0x16: {  	_ = 	snop  }
0x17: {  	[tilespmem:s22], [sflag:$0x2] =	stream.linear.gather [hbm4b:s5+s2], $0x8000, $0x38;
	[tilespmem:$0x10C80] =	vst v63  }
0x18: {  	_ = 	snop  }
0x19: {  	[tilespmem:s23], [sflag:$0x3] =	stream.linear.gather [hbm4b:s3+s2], $0x400, $0x38;
	[tilespmem:$0x10C80] =	vst v63  }
0x1a: {  	_ =	swait.ge [sflag:s24], $0x400  }
0x1b: {  	[sflag:s24] =	ssyncset.done $0x0  }
0x1c: {  	s0 =	simm.s32 $0x40;
	s1 =	simm.s32 $0x0;
	[sflag:s24] =	ssyncadd.s32 $0xFFFFFC00  }
.LBB2_2:
0x1d: {  	p0 =	sne.s32 s0, $0x2000;
	[tilespmem:s1+$0x10000] =	vst v0;
	s1 =	smov.u32 s0;
	s0 =	sadd.s32 $0x40, s0  }
.Ltmp0:
0x1e: {  	(pc) =	sbr.rel @p0 .LBB2_2-.Ltmp0, $2  }
0x1f: {  	_ =	sdelay $0x2  }
0x20: {  	s1 =	sshra.s32 s1, $0x2  }
0x21: {  	[tilespmem:s1+$0x10000] =	vst v0  }
0x22: {  	_ =	swait.ge [sflag:s25], $0x8000  }
0x23: {  	[sflag:s25] =	ssyncset.done $0x0  }
0x24: {  	[sflag:s25] =	ssyncadd.s32 $0xFFFF8000  }
0x25: {  	[tilespmem:s2], [sflag:$0x1] =	stream.linear.gather [hbm4b:s8+s2], $0x8000, $0x38;
	[tilespmem:$0x10C80] =	vst v63  }
0x26: {  	_ =	swait.ge [sflag:s26], $0x8000  }
0x27: {  	[sflag:s26] =	ssyncset.done $0x0  }
0x28: {  	[sflag:s26] =	ssyncadd.s32 $0xFFFF8000  }
0x29: {  	[tilespmem:s22], [sflag:$0x2] =	stream.linear.gather [hbm4b:s9+s2], $0x8000, $0x38;
	[tilespmem:$0x10C80] =	vst v63  }
0x2a: {  	_ =	swait.ge [sflag:s25], $0x8000  }
0x2b: {  	[sflag:s25] =	ssyncset.done $0x0  }
0x2c: {  	[sflag:s25] =	ssyncadd.s32 $0xFFFF8000  }
0x2d: {  	[tilespmem:s2], [sflag:$0x1] =	stream.linear.gather [hbm4b:s10+s2], $0x8000, $0x38;
	[tilespmem:$0x10C80] =	vst v63  }
0x2e: {  	_ =	swait.ge [sflag:s26], $0x8000  }
0x2f: {  	[sflag:s26] =	ssyncset.done $0x0  }
0x30: {  	[sflag:s26] =	ssyncadd.s32 $0xFFFF8000  }
0x31: {  	[tilespmem:s22], [sflag:$0x2] =	stream.linear.gather [hbm4b:s11+s2], $0x8000, $0x38;
	[tilespmem:$0x10C80] =	vst v63  }
0x32: {  	_ =	swait.ge [sflag:s25], $0x8000  }
0x33: {  	[sflag:s25] =	ssyncset.done $0x0  }
0x34: {  	[sflag:s25] =	ssyncadd.s32 $0xFFFF8000  }
0x35: {  	[tilespmem:s2], [sflag:$0x1] =	stream.linear.gather [hbm4b:s12+s2], $0x8000, $0x38;
	[tilespmem:$0x10C80] =	vst v63  }
0x36: {  	_ =	swait.ge [sflag:s26], $0x8000  }
0x37: {  	[sflag:s26] =	ssyncset.done $0x0  }
0x38: {  	[sflag:s26] =	ssyncadd.s32 $0xFFFF8000  }
0x39: {  	[tilespmem:s22], [sflag:$0x2] =	stream.linear.gather [hbm4b:s13+s2], $0x8000, $0x38;
	[tilespmem:$0x10C80] =	vst v63  }
0x3a: {  	_ =	swait.ge [sflag:s25], $0x8000  }
0x3b: {  	[sflag:s25] =	ssyncset.done $0x0  }
0x3c: {  	[sflag:s25] =	ssyncadd.s32 $0xFFFF8000  }
0x3d: {  	[tilespmem:s2], [sflag:$0x1] =	stream.linear.gather [hbm4b:s14+s2], $0x8000, $0x38;
	[tilespmem:$0x10C80] =	vst v63  }
0x3e: {  	_ =	swait.ge [sflag:s26], $0x8000  }
0x3f: {  	[sflag:s26] =	ssyncset.done $0x0  }
0x40: {  	[sflag:s26] =	ssyncadd.s32 $0xFFFF8000  }
0x41: {  	[tilespmem:s22], [sflag:$0x2] =	stream.linear.gather [hbm4b:s15+s2], $0x8000, $0x38;
	[tilespmem:$0x10C80] =	vst v63  }
0x42: {  	_ =	swait.ge [sflag:s25], $0x8000  }
0x43: {  	[sflag:s25] =	ssyncset.done $0x0  }
0x44: {  	[sflag:s25] =	ssyncadd.s32 $0xFFFF8000  }
0x45: {  	[tilespmem:s2], [sflag:$0x1] =	stream.linear.gather [hbm4b:s16+s2], $0x8000, $0x38;
	[tilespmem:$0x10C80] =	vst v63  }
0x46: {  	_ =	swait.ge [sflag:s26], $0x8000  }
0x47: {  	[sflag:s26] =	ssyncset.done $0x0  }
0x48: {  	[sflag:s26] =	ssyncadd.s32 $0xFFFF8000  }
0x49: {  	[tilespmem:s22], [sflag:$0x2] =	stream.linear.gather [hbm4b:s17+s2], $0x8000, $0x38;
	[tilespmem:$0x10C80] =	vst v63  }
0x4a: {  	_ =	swait.ge [sflag:s25], $0x8000  }
0x4b: {  	[sflag:s25] =	ssyncset.done $0x0  }
0x4c: {  	[sflag:s25] =	ssyncadd.s32 $0xFFFF8000  }
0x4d: {  	[tilespmem:s2], [sflag:$0x1] =	stream.linear.gather [hbm4b:s18+s2], $0x8000, $0x38;
	[tilespmem:$0x10C80] =	vst v63  }
0x4e: {  	_ =	swait.ge [sflag:s26], $0x8000  }
0x4f: {  	[sflag:s26] =	ssyncset.done $0x0  }
0x50: {  	[sflag:s26] =	ssyncadd.s32 $0xFFFF8000  }
0x51: {  	[tilespmem:s22], [sflag:$0x2] =	stream.linear.gather [hbm4b:s19+s2], $0x8000, $0x38;
	[tilespmem:$0x10C80] =	vst v63  }
0x52: {  	_ =	swait.ge [sflag:s25], $0x8000  }
0x53: {  	[sflag:s25] =	ssyncset.done $0x0  }
0x54: {  	[sflag:s25] =	ssyncadd.s32 $0xFFFF8000  }
0x55: {  	[tilespmem:s2], [sflag:$0x1] =	stream.linear.gather [hbm4b:s20+s2], $0x8000, $0x38;
	[tilespmem:$0x10C80] =	vst v63  }
0x56: {  	_ =	swait.ge [sflag:s26], $0x8000  }
0x57: {  	[sflag:s26] =	ssyncset.done $0x0  }
0x58: {  	[sflag:s26] =	ssyncadd.s32 $0xFFFF8000  }
0x59: {  	[tilespmem:s22], [sflag:$0x2] =	stream.linear.gather [hbm4b:s21+s2], $0x8000, $0x38;
	[tilespmem:$0x10C80] =	vst v63  }
0x5a: {  	_ =	swait.ge [sflag:s25], $0x8000  }
0x5b: {  	[sflag:s25] =	ssyncset.done $0x0  }
0x5c: {  	[sflag:s25] =	ssyncadd.s32 $0xFFFF8000  }
0x5d: {  	s31 =	sadd.s32 $0x1, s31;
	_ =	swait.ge [sflag:s26], $0x8000  }
0x5e: {  	p0 =	sne.s32 s31, s7;
	[sflag:s26] =	ssyncset.done $0x0  }
.Ltmp1:
0x5f: {  	[sflag:s26] =	ssyncadd.s32 $0xFFFF8000;
	(pc) =	sbr.rel @p0 .LBB2_1-.Ltmp1, $4  }
0x60: {  	[hbm4b:s6+s28] =	stream.strided.scatter [tilespmem:s30], [sflag:$0x3], $0x880, s29, s28, $0x38;
	[tilespmem:$0x10C80] =	vst v63  }
0x61: {  	_ =	swait.ge [sflag:s24], $0x880  }
0x62: {  	[sflag:s24] =	ssyncset.done $0x0  }
0x63: {  	[sflag:s24] =	ssyncadd.s32 $0xFFFFF780  }
0x64: {  	_ =	sfence.sel $0x180000  }
0x65: {  	[bflag:$0x0] =	sbarrier.arrive $0xFFFF  }
0x66: {  	_ =	strace $0x9000004A  }
0x67: {  	s0 =	stileid.u32;
	[bflag:$0x2] =	sbarrier.arrive $0xFFFF  }
0x68: {  	p0 =	sne.s32 s0, $0x0;
	s0 =	rddreg [dreg:$0x2]  }
0x69: {  	s0 =	sadd.s32 @!p0 $0x100000, s0  }
0x6a: {  	[sflag:s0] =	ssyncadd.tile.s32 @!p0 $0x1;
	_ =	shalt  }
.Lfunc_end2:
_tile_overlayer_lowered:
.L_overlay_start_2:
0x6b: {  	(tag) =	ssettag $0x2  }
0x6c: {  	s0 =	rddreg [dreg:$0x0];
	s2 =	stileid.u32  }
0x6d: {  	s1 =	rddreg [dreg:$0x1];
	p0 =	sne.s32 s2, $0x0  }
0x6e: {  	s3 =	rddreg [dreg:$0x2];
	[bflag:$0x3] =	sbarrier.arrive $0xFFFF;
	s2 =	simm.s32 @!p0 $0x1C03  }
0x6f: {  	[timem:s3], [sflag:s2] =	dma.local @!p0 [hbm:s0], s1  }
0x70: {  	s0 =	simm.s32 @!p0 $0x3  }
0x71: {  	_ =	swait.ge @!p0 [sflag:s0], s1  }
0x72: {  	s1 =	ssub.s32 @!p0 $0x0, s1;
	[sflag:s0] =	ssyncset.done @!p0 $0x0  }
0x73: {  	[sflag:s0] =	ssyncadd.s32 @!p0 s1  }
0x74: {  	[bflag:$0x3] =	sbarrier.arrive $0xFFFF  }
0x75: {  	_ =	shalt  }

// kernel: kernel.14.cloned.1.call-start
scs
__scs_entry_jumppad:
0x0: {  	(pc) =	sbr.rel $0x88, $3  }
0x1: {  	(tag) =	ssettag $0x0;
	lr =	simm.s32 $0x1  }
0x2: {  	[smem:$0x3F9F] =	sst lr;
	_ =	strace $0xD0000000  }
0x3: {  	_ = 	snop  }
0x4: {  	_ = 	snop  }
0x5: {  	_ = 	snop  }
0x6: {  	_ = 	snop  }
0x7: {  	_ = 	snop  }
__scs_overlays_trampoline_lowered:
0x8: {  	[smem:$0x3FAE] =	sst s0  }
0x9: {  	[smem:$0x3FAF] =	sst s1  }
0xa: {  	[smem:$0x3FB0] =	sst s2  }
0xb: {  	[smem:$0x3FB1] =	sst s3  }
0xc: {  	[smem:$0x3FB2] =	sst s4  }
0xd: {  	[smem:$0x3FB3] =	sst s5  }
0xe: {  	[smem:$0x3FB4] =	sst s6  }
0xf: {  	[smem:$0x3FB5] =	sst s7  }
0x10: {  	[smem:$0x3FB6] =	sst s8  }
0x11: {  	[smem:$0x3FB7] =	sst s9;
	s0 =	simm.s32 @!p0 $0x0  }
0x12: {  	s1 =	sld [smem:$0x3F9D];
	s0 =	simm.s32 @p0 $0x1  }
0x13: {  	[smem:$0x3FB8] =	sst s0;
	s0 =	simm.s32 @!p1 $0x0  }
0x14: {  	s2 =	sld [smem:$0x3F9C];
	s0 =	simm.s32 @p1 $0x1  }
0x15: {  	[smem:$0x3FB9] =	sst s0;
	s0 =	simm.s32 @!p2 $0x0  }
0x16: {  	s3 =	sld [smem:$0x3FDB];
	s0 =	simm.s32 @p2 $0x1  }
0x17: {  	s4 =	simm.s32 $0x1BF5;
	[smem:$0x3FBB] =	sst s0  }
0x18: {  	s0 =	sld [smem:$0x3F9E];
	_ =	swait.ge [sflag:s4], $0x0  }
0x19: {  	s7 =	sld [smem:$0x3F9F]  }
0x1a: {  	s8 =	sadd.s32 $0xFFFFE003, lr  }
0x1b: {  	s9 =	sadd.s32 $0xFFFFFEF7, lr;
	s5 =	simm.s32 $0xFFFFFFFF;
	p2 =	slt.u32 s8, $0xFFFFF086  }
0x1c: {  	p1 =	slt.u32 s9, $0xF7A;
	s5 =	simm.s32 @!p2 $0x0  }
0x1d: {  	s5 =	simm.s32 @p1 $0x1;
	p0 =	seq.s32 s7, s2  }
0x1e: {  	s7 =	smul.u32 @!p0 $0xF7A, s2;
	p2 =	seq.s32 @!p0 s5, $0x0  }
0x1f: {  	s9 =	smul.u32 $0xF7A, s1;
	s8 =	simm.s32 @!p0 $0x1BF5;
	p2 =	por !p2, p0  }
0x20: {  	[sflag:s8] =	ssyncset.s32 @!p0 $0xFFFFF086;
	s6 =	sadd.s32 @!p0 s3, s7;
	s7 =	simm.s32 @!p0 $0x108  }
0x21: {  	s3 =	sadd.s32 s3, s9;
	s6 =	sadd.s32 @!p0 $0x88, s6;
	s7 =	simm.s32 @p2 $0x1082  }
0x22: {  	[simem:s7], [sflag:s8] =	dma.local @!p0 [hbm:s6], $0xF7A  }
0x23: {  	s9 =	sor.u32 $0xD0000000, s2;
	s6 =	simm.s32 $0x108;
	_ =	swait.ge @!p0 [sflag:s8], $0x0  }
0x24: {  	s3 =	sadd.s32 $0x88, s3;
	s6 =	simm.s32 @!p1 $0x1082;
	[sflag:s4] =	ssyncset.s32 $0xFFFFF086  }
0x25: {  	[simem:s6], [sflag:s4] =	dma.local [hbm:s3], $0xF7A  }
0x26: {  	[smem:$0x3F9F] =	sst s1;
	(tag) =	ssettag s2;
	_ =	strace s9  }
0x27: {  	s1 =	sld [smem:$0x3FAF]  }
0x28: {  	s2 =	sld [smem:$0x3FB0]  }
0x29: {  	s4 =	sld [smem:$0x3FB2]  }
0x2a: {  	p0 =	seq.s32 s5, $0x0;
	s5 =	sld [smem:$0x3FB3]  }
0x2b: {  	s6 =	sld [smem:$0x3FB4]  }
0x2c: {  	s7 =	sld [smem:$0x3FB5]  }
0x2d: {  	s3 =	simm.s32 $0x108;
	s8 =	sld [smem:$0x3FB6]  }
0x2e: {  	s3 =	simm.s32 @!p0 $0x1082;
	s9 =	sld [smem:$0x3FB7]  }
0x2f: {  	lr =	sadd.s32 s0, s3;
	s0 =	sld [smem:$0x3FAE]  }
0x30: {  	s3 =	sld [smem:$0x3FB1]  }
0x31: {  	[smem:$0x3FBA] =	sst s10  }
0x32: {  	s10 =	sld [smem:$0x3FB8];
	_ =	sdelay $0x3  }
0x33: {  	p0 =	seq.s32 s10, $0x1;
	s10 =	sld [smem:$0x3FBA];
	_ =	sdelay $0x3  }
0x34: {  	[smem:$0x3FBA] =	sst s10  }
0x35: {  	s10 =	sld [smem:$0x3FB9];
	_ =	sdelay $0x3  }
0x36: {  	p1 =	seq.s32 s10, $0x1;
	s10 =	sld [smem:$0x3FBA];
	_ =	sdelay $0x3  }
0x37: {  	[smem:$0x3FBA] =	sst s10  }
0x38: {  	s10 =	sld [smem:$0x3FBB]  }
0x39: {  	_ = 	snop;
	(pc) =	sbr.ind lr, $3  }
0x3a: {  	_ = 	snop  }
0x3b: {  	_ = 	snop  }
0x3c: {  	p2 =	seq.s32 s10, $0x1;
	s10 =	sld [smem:$0x3FBA]  }
0x3d: {  	_ =	shalt  }
0x3e: {  	_ =	shalt  }
0x3f: {  	_ =	shalt  }
0x40: {  	_ =	shalt  }
0x41: {  	_ =	shalt  }
0x42: {  	_ =	shalt  }
0x43: {  	_ =	shalt  }
0x44: {  	_ =	shalt  }
0x45: {  	_ =	shalt  }
0x46: {  	_ =	shalt  }
0x47: {  	_ =	shalt  }
0x48: {  	_ =	shalt  }
0x49: {  	_ =	shalt  }
0x4a: {  	_ =	shalt  }
0x4b: {  	_ =	shalt  }
0x4c: {  	_ =	shalt  }
0x4d: {  	_ =	shalt  }
0x4e: {  	_ =	shalt  }
0x4f: {  	_ =	shalt  }
0x50: {  	_ =	shalt  }
0x51: {  	_ =	shalt  }
0x52: {  	_ =	shalt  }
0x53: {  	_ =	shalt  }
0x54: {  	_ =	shalt  }
0x55: {  	_ =	shalt  }
0x56: {  	_ =	shalt  }
0x57: {  	_ =	shalt  }
0x58: {  	_ =	shalt  }
0x59: {  	_ =	shalt  }
0x5a: {  	_ =	shalt  }
0x5b: {  	_ =	shalt  }
0x5c: {  	_ =	shalt  }
0x5d: {  	_ =	shalt  }
0x5e: {  	_ =	shalt  }
0x5f: {  	_ =	shalt  }
0x60: {  	_ =	shalt  }
0x61: {  	_ =	shalt  }
0x62: {  	_ =	shalt  }
0x63: {  	_ =	shalt  }
0x64: {  	_ =	shalt  }
0x65: {  	_ =	shalt  }
0x66: {  	_ =	shalt  }
0x67: {  	_ =	shalt  }
0x68: {  	_ =	shalt  }
0x69: {  	_ =	shalt  }
0x6a: {  	_ =	shalt  }
0x6b: {  	_ =	shalt  }
0x6c: {  	_ =	shalt  }
0x6d: {  	_ =	shalt  }
0x6e: {  	_ =	shalt  }
0x6f: {  	_ =	shalt  }
0x70: {  	_ =	shalt  }
0x71: {  	_ =	shalt  }
0x72: {  	_ =	shalt  }
0x73: {  	_ =	shalt  }
0x74: {  	_ =	shalt  }
0x75: {  	_ =	shalt  }
0x76: {  	_ =	shalt  }
0x77: {  	_ =	shalt  }
0x78: {  	_ =	shalt  }
0x79: {  	_ =	shalt  }
0x7a: {  	_ =	shalt  }
0x7b: {  	_ =	shalt  }
0x7c: {  	_ =	shalt  }
0x7d: {  	_ =	shalt  }
0x7e: {  	_ =	shalt  }
0x7f: {  	_ =	shalt  }
0x80: {  	_ =	shalt  }
0x81: {  	_ =	shalt  }
0x82: {  	_ =	shalt  }
0x83: {  	_ =	shalt  }
0x84: {  	_ =	shalt  }
0x85: {  	_ =	shalt  }
0x86: {  	_ =	shalt  }
0x87: {  	_ =	shalt  }
.Lfunc_end0:
.L_simem_size_0:
called_computation.2_lowered:
.L_overlay_start_0:
0x88: {  	s2 =	sld [smem:$0x3FD9]  }
0x89: {  	s3 =	sld [smem:$0x3FFE];
	_ =	sdelay $0x1  }
0x8a: {  	s1 =	srdreg.scid  }
0x8b: {  	s0 =	sand.u32 $0x1, s1  }
0x8c: {  	s17 =	sshll.u32 s0, $0xA;
	s2 =	sadd.s32 s3, s2  }
0x8d: {  	s2 =	sadd.s32 s2, s17  }
0x8e: {  	[smem:$0x3FC6] =	sst s2  }
0x8f: {  	_ = 	snop  }
0x90: {  	s2 =	sld [smem:$0x3FC9];
	(tm) =	ssettm $0x1  }
0x91: {  	s18 =	sld [smem:$0x3FFB];
	_ =	sdelay $0x3  }
0x92: {  	_ =	strace s18  }
0x93: {  	s3 =	sld [smem:$0x3FFC];
	_ =	sdelay $0x3  }
0x94: {  	_ =	strace s3  }
0x95: {  	s3 =	sld [smem:$0x3FFD];
	_ =	sdelay $0x3  }
0x96: {  	_ =	strace s3  }
0x97: {  	_ =	strace $0x8FFFFFFF  }
0x98: {  	s19 =	sld [smem:$0x3FDB];
	_ =	sdelay $0x1  }
0x99: {  	s4 =	simm.s32 $_scs_section_size  }
0x9a: {  	s5 =	simm.s32 $_size__tile_overlayer_lowered;
	s6 =	simm.s32 $_tile_overlayer_lowered  }
0x9b: {  	s22 =	simm.s32 $0x1BFF;
	s21 =	sshll.u32 s6, $0x1;
	s3 =	sadd.s32 s4, s19  }
0x9c: {  	s7 =	simm.s32 $0x0;
	s20 =	sshll.u32 s5, $0x1;
	s5 =	sadd.s32 s21, s3  }
0x9d: {  	[timem:s7], [sflag:s22] =	dma.local [hbm:s5], s20  }
0x9e: {  	_ =	swait.ge [sflag:s22], s20  }
0x9f: {  	s4 =	ssub.s32 $0x0, s20;
	[sflag:s22] =	ssyncset.done $0x0  }
0xa0: {  	[sflag:s22] =	ssyncadd.s32 s4;
	_ =	sdelay $0x1  }
0xa1: {  	s23 =	simm.s32 $0x1B8B  }
0xa2: {  	_ =	swait.ge [sflag:s23], $0x1  }
0xa3: {  	[sflag:s23] =	ssyncset.done $0x0  }
0xa4: {  	s25 =	simm.s32 $0x1B8E;
	s24 =	sld [smem:$0x3FFE];
	[sflag:s23] =	ssyncadd.s32 $0xFFFFFFFF  }
0xa5: {  	s26 =	simm.s32 $execute0_lowered;
	[smem:$0x3FD2] =	sst s25  }
0xa6: {  	s5 =	sshll.u32 s26, $0x1;
	_ =	strace $0x8000004C;
	[dreg:$0x1] =	wrdreg $0xFFFFFFFF  }
0xa7: {  	s28 =	simm.s32 $_size_execute0_lowered;
	s3 =	sadd.s32 s3, s5;
	[dreg:$0x0] =	wrdreg $0x0  }
0xa8: {  	s5 =	sshll.u32 s28, $0x1;
	[dreg:$0x2] =	wrdreg s3  }
0xa9: {  	[dreg:$0x3] =	wrdreg s5  }
0xaa: {  	[dreg:$0x4] =	wrdreg $0xC0  }
0xab: {  	_ =	task [dreg:s7], $0x5FFFF  }
0xac: {  	[dreg:$0x1] =	wrdreg $0xFFFFFFFF  }
0xad: {  	[dreg:$0x0] =	wrdreg $0x60  }
0xae: {  	[dreg:$0x2] =	wrdreg s2  }
0xaf: {  	[dreg:$0x3] =	wrdreg s24  }
0xb0: {  	[dreg:$0x4] =	wrdreg $0x9  }
0xb1: {  	_ =	task.clear_ibuf [dreg:s7], $0x5FFFF;
	_ =	strace $0x9000004C  }
0xb2: {  	s29 =	simm.s32 $0x9;
	_ =	strace $0x8000004E  }
0xb3: {  	_ =	swait.ge [sflag:s29], $0x1  }
0xb4: {  	[sflag:s29] =	ssyncadd.s32 $0xFFFFFFFF  }
0xb5: {  	_ =	strace $0x9000004E  }
0xb6: {  	_ =	sfence  }
0xb7: {  	s30 =	sld [smem:$0x0];
	_ =	sdelay $0x2  }
0xb8: {  	s31 =	sshll.u32 s1, $0xD;
	s1 =	sshrl.u32 s1, $0x2  }
0xb9: {  	s3 =	sand.u32 $0x4000, s31;
	s1 =	sadd.s32 s1, s30  }
0xba: {  	s0 =	sor.u32 s3, s0;
	s1 =	sshll.u32 s1, $0x11  }
0xbb: {  	s0 =	sor.u32 s1, s0  }
0xbc: {  	s0 =	sadd.s32 $0x8F2B, s0  }
0xbd: {  	[sflag:s0] =	ssyncadd.remote.s32 $0x1  }
0xbe: {  	_ =	sfence.sel $0xFFFF  }
0xbf: {  	[dreg:$0x0] =	wrdreg $0xFFFFFFFF;
	(pc) =	sbr.abs _section_cstart, $3  }
0xc0: {  	[dreg:$0x1] =	wrdreg $0xFFFFFFFF  }
0xc1: {  	_ =	task.clear_ibuf [dreg:s7], $0x2FFFF;
	_ =	strace $0x9FFFFFFF  }
0xc2: {  	(tm) =	ssettm $0x7FFFFFFF  }
0xc3: {  	_ =	shalt  }
tec
execute0_lowered:
.L_overlay_start_1:
0x0: {  	(tag) =	ssettag $0x1  }
0x1: {  	s0 =	rddreg [dreg:$0x0]  }
0x2: {  	s1 =	rddreg [dreg:$0x1];
	s2 =	srdreg.scid  }
0x3: {  	s6 =	stileid.u32;
	s28 =	simm.s32 $0x80;
	s29 =	simm.s32 $0x400  }
0x4: {  	s30 =	simm.s32 $0x10000;
	s31 =	simm.s32 $0x0;
	s4 =	sand.u32 $0x1, s2  }
0x5: {  	s3 =	sshll.u32 s6, $0x1;
	s2 =	simm.s32 $0x0;
	s20 =	sshrl.u32 s6, $0x2  }
0x6: {  	s5 =	sor.u32 s4, s3;
	[smem:$0x7FF] =	sst s2;
	s6 =	smul.u32 $0x2400, s20  }
0x7: {  	s3 =	sadd.s32 $0x2A00, s1;
	s21 =	ssub.s32 $0x2, s4;
	s20 =	sadd.s32 $0x2000, s0  }
0x8: {  	s7 =	sshll.u32 s5, $0x7;
	_ =	strace $0x8000004D;
	s19 =	sshll.u32 s5, $0x10  }
0x9: {  	s23 =	sshrl.u32 s21, $0x1;
	s7 =	sand.u32 $0x380, s7;
	s4 =	sadd.s32 s0, s19  }
0xa: {  	s0 =	sadd.s32 $0x3000, s0;
	s8 =	sadd.s32 s19, s20;
	s24 =	sor.u32 $0x2000, s19  }
0xb: {  	s13 =	sor.u32 $0x4000, s19;
	s25 =	sor.u32 $0x6000, s19;
	s17 =	sor.u32 $0x8000, s19  }
0xc: {  	s26 =	sor.u32 $0xA000, s19;
	s6 =	sor.u32 s6, s7;
	s7 =	ssub.s32 s21, s23  }
0xd: {  	s5 =	sadd.s32 $0x1000, s4;
	s9 =	sadd.s32 s19, s0;
	s10 =	sadd.s32 s24, s20  }
0xe: {  	s11 =	sadd.s32 s24, s0;
	s12 =	sadd.s32 s13, s20;
	s13 =	sadd.s32 s13, s0  }
0xf: {  	s14 =	sadd.s32 s25, s20;
	s15 =	sadd.s32 s25, s0;
	s16 =	sadd.s32 s17, s20  }
0x10: {  	s17 =	sadd.s32 s17, s0;
	s18 =	sadd.s32 s26, s20;
	s21 =	sor.u32 $0xC000, s19  }
0x11: {  	s19 =	sadd.s32 s26, s0;
	s23 =	simm.s32 $0x10480;
	s24 =	simm.s32 $0x3  }
0x12: {  	s25 =	simm.s32 $0x1;
	s26 =	simm.s32 $0x2;
	s22 =	sshrl.u32 s6, $0x3  }
0x13: {  	s7 =	smax.u32 s7, $0x1;
	s20 =	sadd.s32 s21, s20;
	s1 =	sadd.s32 s22, s1  }
0x14: {  	v0 =	vimm.s32 $0x0;
	s21 =	sadd.s32 s21, s0;
	s22 =	simm.s32 $0x8000;
	s6 =	sadd.s32 $0x2C00, s1  }
.LBB2_1:
0x15: {  	[tilespmem:s2], [sflag:$0x1] =	stream.linear.gather [hbm4b:s4+s2], $0x8000, $0x38;
	[tilespmem:$0x10880] =	vst v63  }
0x16: {  	_ = 	snop  }
0x17: {  	[tilespmem:s22], [sflag:$0x2] =	stream.linear.gather [hbm4b:s5+s2], $0x8000, $0x38;
	[tilespmem:$0x10880] =	vst v63  }
0x18: {  	_ = 	snop  }
0x19: {  	[tilespmem:s23], [sflag:$0x3] =	stream.linear.gather [hbm4b:s3+s2], $0x400, $0x38;
	[tilespmem:$0x10880] =	vst v63  }
0x1a: {  	_ =	swait.ge [sflag:s24], $0x400  }
0x1b: {  	[sflag:s24] =	ssyncset.done $0x0  }
0x1c: {  	s0 =	simm.s32 $0x40;
	s1 =	simm.s32 $0x0;
	[sflag:s24] =	ssyncadd.s32 $0xFFFFFC00  }
.LBB2_2:
0x1d: {  	p0 =	sne.s32 s0, $0x1000;
	[tilespmem:s1+$0x10000] =	vst v0;
	s1 =	smov.u32 s0;
	s0 =	sadd.s32 $0x40, s0  }
.Ltmp0:
0x1e: {  	(pc) =	sbr.rel @p0 .LBB2_2-.Ltmp0, $2  }
0x1f: {  	_ =	sdelay $0x2  }
0x20: {  	s1 =	sshra.s32 s1, $0x2  }
0x21: {  	[tilespmem:s1+$0x10000] =	vst v0  }
0x22: {  	_ =	swait.ge [sflag:s25], $0x8000  }
0x23: {  	[sflag:s25] =	ssyncset.done $0x0  }
0x24: {  	[sflag:s25] =	ssyncadd.s32 $0xFFFF8000  }
0x25: {  	[tilespmem:s2], [sflag:$0x1] =	stream.linear.gather [hbm4b:s8+s2], $0x8000, $0x38;
	[tilespmem:$0x10880] =	vst v63  }
0x26: {  	_ =	swait.ge [sflag:s26], $0x8000  }
0x27: {  	[sflag:s26] =	ssyncset.done $0x0  }
0x28: {  	[sflag:s26] =	ssyncadd.s32 $0xFFFF8000  }
0x29: {  	[tilespmem:s22], [sflag:$0x2] =	stream.linear.gather [hbm4b:s9+s2], $0x8000, $0x38;
	[tilespmem:$0x10880] =	vst v63  }
0x2a: {  	_ =	swait.ge [sflag:s25], $0x8000  }
0x2b: {  	[sflag:s25] =	ssyncset.done $0x0  }
0x2c: {  	[sflag:s25] =	ssyncadd.s32 $0xFFFF8000  }
0x2d: {  	[tilespmem:s2], [sflag:$0x1] =	stream.linear.gather [hbm4b:s10+s2], $0x8000, $0x38;
	[tilespmem:$0x10880] =	vst v63  }
0x2e: {  	_ =	swait.ge [sflag:s26], $0x8000  }
0x2f: {  	[sflag:s26] =	ssyncset.done $0x0  }
0x30: {  	[sflag:s26] =	ssyncadd.s32 $0xFFFF8000  }
0x31: {  	[tilespmem:s22], [sflag:$0x2] =	stream.linear.gather [hbm4b:s11+s2], $0x8000, $0x38;
	[tilespmem:$0x10880] =	vst v63  }
0x32: {  	_ =	swait.ge [sflag:s25], $0x8000  }
0x33: {  	[sflag:s25] =	ssyncset.done $0x0  }
0x34: {  	[sflag:s25] =	ssyncadd.s32 $0xFFFF8000  }
0x35: {  	[tilespmem:s2], [sflag:$0x1] =	stream.linear.gather [hbm4b:s12+s2], $0x8000, $0x38;
	[tilespmem:$0x10880] =	vst v63  }
0x36: {  	_ =	swait.ge [sflag:s26], $0x8000  }
0x37: {  	[sflag:s26] =	ssyncset.done $0x0  }
0x38: {  	[sflag:s26] =	ssyncadd.s32 $0xFFFF8000  }
0x39: {  	[tilespmem:s22], [sflag:$0x2] =	stream.linear.gather [hbm4b:s13+s2], $0x8000, $0x38;
	[tilespmem:$0x10880] =	vst v63  }
0x3a: {  	_ =	swait.ge [sflag:s25], $0x8000  }
0x3b: {  	[sflag:s25] =	ssyncset.done $0x0  }
0x3c: {  	[sflag:s25] =	ssyncadd.s32 $0xFFFF8000  }
0x3d: {  	[tilespmem:s2], [sflag:$0x1] =	stream.linear.gather [hbm4b:s14+s2], $0x8000, $0x38;
	[tilespmem:$0x10880] =	vst v63  }
0x3e: {  	_ =	swait.ge [sflag:s26], $0x8000  }
0x3f: {  	[sflag:s26] =	ssyncset.done $0x0  }
0x40: {  	[sflag:s26] =	ssyncadd.s32 $0xFFFF8000  }
0x41: {  	[tilespmem:s22], [sflag:$0x2] =	stream.linear.gather [hbm4b:s15+s2], $0x8000, $0x38;
	[tilespmem:$0x10880] =	vst v63  }
0x42: {  	_ =	swait.ge [sflag:s25], $0x8000  }
0x43: {  	[sflag:s25] =	ssyncset.done $0x0  }
0x44: {  	[sflag:s25] =	ssyncadd.s32 $0xFFFF8000  }
0x45: {  	[tilespmem:s2], [sflag:$0x1] =	stream.linear.gather [hbm4b:s16+s2], $0x8000, $0x38;
	[tilespmem:$0x10880] =	vst v63  }
0x46: {  	_ =	swait.ge [sflag:s26], $0x8000  }
0x47: {  	[sflag:s26] =	ssyncset.done $0x0  }
0x48: {  	[sflag:s26] =	ssyncadd.s32 $0xFFFF8000  }
0x49: {  	[tilespmem:s22], [sflag:$0x2] =	stream.linear.gather [hbm4b:s17+s2], $0x8000, $0x38;
	[tilespmem:$0x10880] =	vst v63  }
0x4a: {  	_ =	swait.ge [sflag:s25], $0x8000  }
0x4b: {  	[sflag:s25] =	ssyncset.done $0x0  }
0x4c: {  	[sflag:s25] =	ssyncadd.s32 $0xFFFF8000  }
0x4d: {  	[tilespmem:s2], [sflag:$0x1] =	stream.linear.gather [hbm4b:s18+s2], $0x8000, $0x38;
	[tilespmem:$0x10880] =	vst v63  }
0x4e: {  	_ =	swait.ge [sflag:s26], $0x8000  }
0x4f: {  	[sflag:s26] =	ssyncset.done $0x0  }
0x50: {  	[sflag:s26] =	ssyncadd.s32 $0xFFFF8000  }
0x51: {  	[tilespmem:s22], [sflag:$0x2] =	stream.linear.gather [hbm4b:s19+s2], $0x8000, $0x38;
	[tilespmem:$0x10880] =	vst v63  }
0x52: {  	_ =	swait.ge [sflag:s25], $0x8000  }
0x53: {  	[sflag:s25] =	ssyncset.done $0x0  }
0x54: {  	[sflag:s25] =	ssyncadd.s32 $0xFFFF8000  }
0x55: {  	[tilespmem:s2], [sflag:$0x1] =	stream.linear.gather [hbm4b:s20+s2], $0x8000, $0x38;
	[tilespmem:$0x10880] =	vst v63  }
0x56: {  	_ =	swait.ge [sflag:s26], $0x8000  }
0x57: {  	[sflag:s26] =	ssyncset.done $0x0  }
0x58: {  	[sflag:s26] =	ssyncadd.s32 $0xFFFF8000  }
0x59: {  	[tilespmem:s22], [sflag:$0x2] =	stream.linear.gather [hbm4b:s21+s2], $0x8000, $0x38;
	[tilespmem:$0x10880] =	vst v63  }
0x5a: {  	_ =	swait.ge [sflag:s25], $0x8000  }
0x5b: {  	[sflag:s25] =	ssyncset.done $0x0  }
0x5c: {  	[sflag:s25] =	ssyncadd.s32 $0xFFFF8000  }
0x5d: {  	s31 =	sadd.s32 $0x1, s31;
	_ =	swait.ge [sflag:s26], $0x8000  }
0x5e: {  	p0 =	sne.s32 s31, s7;
	[sflag:s26] =	ssyncset.done $0x0  }
.Ltmp1:
0x5f: {  	[sflag:s26] =	ssyncadd.s32 $0xFFFF8000;
	(pc) =	sbr.rel @p0 .LBB2_1-.Ltmp1, $4  }
0x60: {  	[hbm4b:s6+s28] =	stream.strided.scatter [tilespmem:s30], [sflag:$0x3], $0x480, s29, s28, $0x38;
	[tilespmem:$0x10880] =	vst v63  }
0x61: {  	_ =	swait.ge [sflag:s24], $0x480  }
0x62: {  	[sflag:s24] =	ssyncset.done $0x0  }
0x63: {  	[sflag:s24] =	ssyncadd.s32 $0xFFFFFB80  }
0x64: {  	_ =	sfence.sel $0x180000  }
0x65: {  	[bflag:$0x0] =	sbarrier.arrive $0xFFFF  }
0x66: {  	_ =	strace $0x9000004D  }
0x67: {  	s0 =	stileid.u32;
	[bflag:$0x2] =	sbarrier.arrive $0xFFFF  }
0x68: {  	p0 =	sne.s32 s0, $0x0;
	s0 =	rddreg [dreg:$0x2]  }
0x69: {  	s0 =	sadd.s32 @!p0 $0x100000, s0  }
0x6a: {  	[sflag:s0] =	ssyncadd.tile.s32 @!p0 $0x1;
	_ =	shalt  }
.Lfunc_end2:
_tile_overlayer_lowered:
.L_overlay_start_2:
0x6b: {  	(tag) =	ssettag $0x2  }
0x6c: {  	s0 =	rddreg [dreg:$0x0];
	s2 =	stileid.u32  }
0x6d: {  	s1 =	rddreg [dreg:$0x1];
	p0 =	sne.s32 s2, $0x0  }
0x6e: {  	s3 =	rddreg [dreg:$0x2];
	[bflag:$0x3] =	sbarrier.arrive $0xFFFF;
	s2 =	simm.s32 @!p0 $0x1C03  }
0x6f: {  	[timem:s3], [sflag:s2] =	dma.local @!p0 [hbm:s0], s1  }
0x70: {  	s0 =	simm.s32 @!p0 $0x3  }
0x71: {  	_ =	swait.ge @!p0 [sflag:s0], s1  }
0x72: {  	s1 =	ssub.s32 @!p0 $0x0, s1;
	[sflag:s0] =	ssyncset.done @!p0 $0x0  }
0x73: {  	[sflag:s0] =	ssyncadd.s32 @!p0 s1  }
0x74: {  	[bflag:$0x3] =	sbarrier.arrive $0xFFFF  }
0x75: {  	_ =	shalt  }

// kernel: kernel.8.cloned.1.call-start
scs
__scs_entry_jumppad:
0x0: {  	(pc) =	sbr.rel $0x88, $3  }
0x1: {  	(tag) =	ssettag $0x0;
	lr =	simm.s32 $0x1  }
0x2: {  	[smem:$0x3F9F] =	sst lr;
	_ =	strace $0xD0000000  }
0x3: {  	_ = 	snop  }
0x4: {  	_ = 	snop  }
0x5: {  	_ = 	snop  }
0x6: {  	_ = 	snop  }
0x7: {  	_ = 	snop  }
__scs_overlays_trampoline_lowered:
0x8: {  	[smem:$0x3FAE] =	sst s0  }
0x9: {  	[smem:$0x3FAF] =	sst s1  }
0xa: {  	[smem:$0x3FB0] =	sst s2  }
0xb: {  	[smem:$0x3FB1] =	sst s3  }
0xc: {  	[smem:$0x3FB2] =	sst s4  }
0xd: {  	[smem:$0x3FB3] =	sst s5  }
0xe: {  	[smem:$0x3FB4] =	sst s6  }
0xf: {  	[smem:$0x3FB5] =	sst s7  }
0x10: {  	[smem:$0x3FB6] =	sst s8  }
0x11: {  	[smem:$0x3FB7] =	sst s9;
	s0 =	simm.s32 @!p0 $0x0  }
0x12: {  	s1 =	sld [smem:$0x3F9D];
	s0 =	simm.s32 @p0 $0x1  }
0x13: {  	[smem:$0x3FB8] =	sst s0;
	s0 =	simm.s32 @!p1 $0x0  }
0x14: {  	s2 =	sld [smem:$0x3F9C];
	s0 =	simm.s32 @p1 $0x1  }
0x15: {  	[smem:$0x3FB9] =	sst s0;
	s0 =	simm.s32 @!p2 $0x0  }
0x16: {  	s3 =	sld [smem:$0x3FDB];
	s0 =	simm.s32 @p2 $0x1  }
0x17: {  	s4 =	simm.s32 $0x1BF5;
	[smem:$0x3FBB] =	sst s0  }
0x18: {  	s0 =	sld [smem:$0x3F9E];
	_ =	swait.ge [sflag:s4], $0x0  }
0x19: {  	s7 =	sld [smem:$0x3F9F]  }
0x1a: {  	s8 =	sadd.s32 $0xFFFFE003, lr  }
0x1b: {  	s9 =	sadd.s32 $0xFFFFFEF7, lr;
	s5 =	simm.s32 $0xFFFFFFFF;
	p2 =	slt.u32 s8, $0xFFFFF086  }
0x1c: {  	p1 =	slt.u32 s9, $0xF7A;
	s5 =	simm.s32 @!p2 $0x0  }
0x1d: {  	s5 =	simm.s32 @p1 $0x1;
	p0 =	seq.s32 s7, s2  }
0x1e: {  	s7 =	smul.u32 @!p0 $0xF7A, s2;
	p2 =	seq.s32 @!p0 s5, $0x0  }
0x1f: {  	s9 =	smul.u32 $0xF7A, s1;
	s8 =	simm.s32 @!p0 $0x1BF5;
	p2 =	por !p2, p0  }
0x20: {  	[sflag:s8] =	ssyncset.s32 @!p0 $0xFFFFF086;
	s6 =	sadd.s32 @!p0 s3, s7;
	s7 =	simm.s32 @!p0 $0x108  }
0x21: {  	s3 =	sadd.s32 s3, s9;
	s6 =	sadd.s32 @!p0 $0x88, s6;
	s7 =	simm.s32 @p2 $0x1082  }
0x22: {  	[simem:s7], [sflag:s8] =	dma.local @!p0 [hbm:s6], $0xF7A  }
0x23: {  	s9 =	sor.u32 $0xD0000000, s2;
	s6 =	simm.s32 $0x108;
	_ =	swait.ge @!p0 [sflag:s8], $0x0  }
0x24: {  	s3 =	sadd.s32 $0x88, s3;
	s6 =	simm.s32 @!p1 $0x1082;
	[sflag:s4] =	ssyncset.s32 $0xFFFFF086  }
0x25: {  	[simem:s6], [sflag:s4] =	dma.local [hbm:s3], $0xF7A  }
0x26: {  	[smem:$0x3F9F] =	sst s1;
	(tag) =	ssettag s2;
	_ =	strace s9  }
0x27: {  	s1 =	sld [smem:$0x3FAF]  }
0x28: {  	s2 =	sld [smem:$0x3FB0]  }
0x29: {  	s4 =	sld [smem:$0x3FB2]  }
0x2a: {  	p0 =	seq.s32 s5, $0x0;
	s5 =	sld [smem:$0x3FB3]  }
0x2b: {  	s6 =	sld [smem:$0x3FB4]  }
0x2c: {  	s7 =	sld [smem:$0x3FB5]  }
0x2d: {  	s3 =	simm.s32 $0x108;
	s8 =	sld [smem:$0x3FB6]  }
0x2e: {  	s3 =	simm.s32 @!p0 $0x1082;
	s9 =	sld [smem:$0x3FB7]  }
0x2f: {  	lr =	sadd.s32 s0, s3;
	s0 =	sld [smem:$0x3FAE]  }
0x30: {  	s3 =	sld [smem:$0x3FB1]  }
0x31: {  	[smem:$0x3FBA] =	sst s10  }
0x32: {  	s10 =	sld [smem:$0x3FB8];
	_ =	sdelay $0x3  }
0x33: {  	p0 =	seq.s32 s10, $0x1;
	s10 =	sld [smem:$0x3FBA];
	_ =	sdelay $0x3  }
0x34: {  	[smem:$0x3FBA] =	sst s10  }
0x35: {  	s10 =	sld [smem:$0x3FB9];
	_ =	sdelay $0x3  }
0x36: {  	p1 =	seq.s32 s10, $0x1;
	s10 =	sld [smem:$0x3FBA];
	_ =	sdelay $0x3  }
0x37: {  	[smem:$0x3FBA] =	sst s10  }
0x38: {  	s10 =	sld [smem:$0x3FBB]  }
0x39: {  	_ = 	snop;
	(pc) =	sbr.ind lr, $3  }
0x3a: {  	_ = 	snop  }
0x3b: {  	_ = 	snop  }
0x3c: {  	p2 =	seq.s32 s10, $0x1;
	s10 =	sld [smem:$0x3FBA]  }
0x3d: {  	_ =	shalt  }
0x3e: {  	_ =	shalt  }
0x3f: {  	_ =	shalt  }
0x40: {  	_ =	shalt  }
0x41: {  	_ =	shalt  }
0x42: {  	_ =	shalt  }
0x43: {  	_ =	shalt  }
0x44: {  	_ =	shalt  }
0x45: {  	_ =	shalt  }
0x46: {  	_ =	shalt  }
0x47: {  	_ =	shalt  }
0x48: {  	_ =	shalt  }
0x49: {  	_ =	shalt  }
0x4a: {  	_ =	shalt  }
0x4b: {  	_ =	shalt  }
0x4c: {  	_ =	shalt  }
0x4d: {  	_ =	shalt  }
0x4e: {  	_ =	shalt  }
0x4f: {  	_ =	shalt  }
0x50: {  	_ =	shalt  }
0x51: {  	_ =	shalt  }
0x52: {  	_ =	shalt  }
0x53: {  	_ =	shalt  }
0x54: {  	_ =	shalt  }
0x55: {  	_ =	shalt  }
0x56: {  	_ =	shalt  }
0x57: {  	_ =	shalt  }
0x58: {  	_ =	shalt  }
0x59: {  	_ =	shalt  }
0x5a: {  	_ =	shalt  }
0x5b: {  	_ =	shalt  }
0x5c: {  	_ =	shalt  }
0x5d: {  	_ =	shalt  }
0x5e: {  	_ =	shalt  }
0x5f: {  	_ =	shalt  }
0x60: {  	_ =	shalt  }
0x61: {  	_ =	shalt  }
0x62: {  	_ =	shalt  }
0x63: {  	_ =	shalt  }
0x64: {  	_ =	shalt  }
0x65: {  	_ =	shalt  }
0x66: {  	_ =	shalt  }
0x67: {  	_ =	shalt  }
0x68: {  	_ =	shalt  }
0x69: {  	_ =	shalt  }
0x6a: {  	_ =	shalt  }
0x6b: {  	_ =	shalt  }
0x6c: {  	_ =	shalt  }
0x6d: {  	_ =	shalt  }
0x6e: {  	_ =	shalt  }
0x6f: {  	_ =	shalt  }
0x70: {  	_ =	shalt  }
0x71: {  	_ =	shalt  }
0x72: {  	_ =	shalt  }
0x73: {  	_ =	shalt  }
0x74: {  	_ =	shalt  }
0x75: {  	_ =	shalt  }
0x76: {  	_ =	shalt  }
0x77: {  	_ =	shalt  }
0x78: {  	_ =	shalt  }
0x79: {  	_ =	shalt  }
0x7a: {  	_ =	shalt  }
0x7b: {  	_ =	shalt  }
0x7c: {  	_ =	shalt  }
0x7d: {  	_ =	shalt  }
0x7e: {  	_ =	shalt  }
0x7f: {  	_ =	shalt  }
0x80: {  	_ =	shalt  }
0x81: {  	_ =	shalt  }
0x82: {  	_ =	shalt  }
0x83: {  	_ =	shalt  }
0x84: {  	_ =	shalt  }
0x85: {  	_ =	shalt  }
0x86: {  	_ =	shalt  }
0x87: {  	_ =	shalt  }
.Lfunc_end0:
.L_simem_size_0:
called_computation_lowered:
.L_overlay_start_0:
0x88: {  	s2 =	sld [smem:$0x3FD9]  }
0x89: {  	s3 =	sld [smem:$0x3FFE];
	_ =	sdelay $0x1  }
0x8a: {  	s1 =	srdreg.scid  }
0x8b: {  	s0 =	sand.u32 $0x1, s1  }
0x8c: {  	s17 =	sshll.u32 s0, $0xA;
	s2 =	sadd.s32 s3, s2  }
0x8d: {  	s2 =	sadd.s32 s2, s17  }
0x8e: {  	[smem:$0x3FC6] =	sst s2  }
0x8f: {  	_ = 	snop  }
0x90: {  	s2 =	sld [smem:$0x3FC9];
	(tm) =	ssettm $0x1  }
0x91: {  	s18 =	sld [smem:$0x3FFB];
	_ =	sdelay $0x3  }
0x92: {  	_ =	strace s18  }
0x93: {  	s3 =	sld [smem:$0x3FFC];
	_ =	sdelay $0x3  }
0x94: {  	_ =	strace s3  }
0x95: {  	s3 =	sld [smem:$0x3FFD];
	_ =	sdelay $0x3  }
0x96: {  	_ =	strace s3  }
0x97: {  	_ =	strace $0x8FFFFFFF  }
0x98: {  	s19 =	sld [smem:$0x3FDB];
	_ =	sdelay $0x1  }
0x99: {  	s4 =	simm.s32 $_scs_section_size  }
0x9a: {  	s5 =	simm.s32 $_size__tile_overlayer_lowered;
	s6 =	simm.s32 $_tile_overlayer_lowered  }
0x9b: {  	s22 =	simm.s32 $0x1BFF;
	s21 =	sshll.u32 s6, $0x1;
	s3 =	sadd.s32 s4, s19  }
0x9c: {  	s7 =	simm.s32 $0x0;
	s20 =	sshll.u32 s5, $0x1;
	s5 =	sadd.s32 s21, s3  }
0x9d: {  	[timem:s7], [sflag:s22] =	dma.local [hbm:s5], s20  }
0x9e: {  	_ =	swait.ge [sflag:s22], s20  }
0x9f: {  	s4 =	ssub.s32 $0x0, s20;
	[sflag:s22] =	ssyncset.done $0x0  }
0xa0: {  	[sflag:s22] =	ssyncadd.s32 s4;
	_ =	sdelay $0x1  }
0xa1: {  	s23 =	simm.s32 $0x1B8B  }
0xa2: {  	_ =	swait.ge [sflag:s23], $0x1  }
0xa3: {  	[sflag:s23] =	ssyncset.done $0x0  }
0xa4: {  	s25 =	simm.s32 $0x1B8E;
	s24 =	sld [smem:$0x3FFE];
	[sflag:s23] =	ssyncadd.s32 $0xFFFFFFFF  }
0xa5: {  	s26 =	simm.s32 $execute0_lowered;
	[smem:$0x3FD2] =	sst s25  }
0xa6: {  	s5 =	sshll.u32 s26, $0x1;
	_ =	strace $0x80000046;
	[dreg:$0x1] =	wrdreg $0xFFFFFFFF  }
0xa7: {  	s28 =	simm.s32 $_size_execute0_lowered;
	s3 =	sadd.s32 s3, s5;
	[dreg:$0x0] =	wrdreg $0x0  }
0xa8: {  	s5 =	sshll.u32 s28, $0x1;
	[dreg:$0x2] =	wrdreg s3  }
0xa9: {  	[dreg:$0x3] =	wrdreg s5  }
0xaa: {  	[dreg:$0x4] =	wrdreg $0xC0  }
0xab: {  	_ =	task [dreg:s7], $0x5FFFF  }
0xac: {  	[dreg:$0x1] =	wrdreg $0xFFFFFFFF  }
0xad: {  	[dreg:$0x0] =	wrdreg $0x60  }
0xae: {  	[dreg:$0x2] =	wrdreg s2  }
0xaf: {  	[dreg:$0x3] =	wrdreg s24  }
0xb0: {  	[dreg:$0x4] =	wrdreg $0x9  }
0xb1: {  	_ =	task.clear_ibuf [dreg:s7], $0x5FFFF;
	_ =	strace $0x90000046  }
0xb2: {  	s29 =	simm.s32 $0x9;
	_ =	strace $0x80000048  }
0xb3: {  	_ =	swait.ge [sflag:s29], $0x1  }
0xb4: {  	[sflag:s29] =	ssyncadd.s32 $0xFFFFFFFF  }
0xb5: {  	_ =	strace $0x90000048  }
0xb6: {  	_ =	sfence  }
0xb7: {  	s30 =	sld [smem:$0x0];
	_ =	sdelay $0x2  }
0xb8: {  	s31 =	sshll.u32 s1, $0xD;
	s1 =	sshrl.u32 s1, $0x2  }
0xb9: {  	s3 =	sand.u32 $0x4000, s31;
	s1 =	sadd.s32 s1, s30  }
0xba: {  	s0 =	sor.u32 s3, s0;
	s1 =	sshll.u32 s1, $0x11  }
0xbb: {  	s0 =	sor.u32 s1, s0  }
0xbc: {  	s0 =	sadd.s32 $0x8F2B, s0  }
0xbd: {  	[sflag:s0] =	ssyncadd.remote.s32 $0x1  }
0xbe: {  	_ =	sfence.sel $0xFFFF  }
0xbf: {  	[dreg:$0x0] =	wrdreg $0xFFFFFFFF;
	(pc) =	sbr.abs _section_cstart, $3  }
0xc0: {  	[dreg:$0x1] =	wrdreg $0xFFFFFFFF  }
0xc1: {  	_ =	task.clear_ibuf [dreg:s7], $0x2FFFF;
	_ =	strace $0x9FFFFFFF  }
0xc2: {  	(tm) =	ssettm $0x7FFFFFFF  }
0xc3: {  	_ =	shalt  }
tec
execute0_lowered:
.L_overlay_start_1:
0x0: {  	(tag) =	ssettag $0x1  }
0x1: {  	s5 =	rddreg [dreg:$0x0]  }
0x2: {  	s3 =	rddreg [dreg:$0x1]  }
0x3: {  	s0 =	rddreg [dreg:$0x2];
	s2 =	simm.s32 $0x0  }
0x4: {  	s1 =	stileid.u32;
	s4 =	srdreg.scid;
	s22 =	simm.s32 $0x1  }
0x5: {  	s23 =	simm.s32 $0x2;
	s24 =	simm.s32 $0x80;
	s25 =	simm.s32 $0x400  }
0x6: {  	s26 =	simm.s32 $0x10000;
	s28 =	simm.s32 $0x3;
	s29 =	simm.s32 $0x0  }
0x7: {  	[smem:$0x7FF] =	sst s2;
	s6 =	sshll.u32 s1, $0xB;
	s4 =	sand.u32 $0x1, s4  }
0x8: {  	s7 =	sshll.u32 s1, $0x1;
	s19 =	sadd.s32 $0x2000, s5;
	s20 =	sadd.s32 $0x3000, s5  }
0x9: {  	_ =	strace $0x80000047;
	s6 =	sand.u32 $0x6000, s6;
	s7 =	sor.u32 s4, s7  }
0xa: {  	s4 =	ssub.s32 $0x2, s4;
	s6 =	sadd.s32 s6, s3;
	s17 =	sshll.u32 s7, $0x10  }
0xb: {  	s8 =	sshrl.u32 s4, $0x1;
	s7 =	sshll.u32 s7, $0x4;
	s3 =	sadd.s32 s5, s17  }
0xc: {  	s8 =	ssub.s32 s4, s8;
	s7 =	sand.u32 $0x70, s7;
	s10 =	sor.u32 $0x2000, s17  }
0xd: {  	s12 =	sor.u32 $0x4000, s17;
	s14 =	sor.u32 $0x6000, s17;
	s16 =	sor.u32 $0x8000, s17  }
0xe: {  	s18 =	sor.u32 $0xA000, s17;
	s21 =	sor.u32 $0xC000, s17;
	s4 =	sadd.s32 $0x1000, s3  }
0xf: {  	s31 =	sadd.s32 s7, s6;
	s6 =	smax.u32 s8, $0x1;
	s7 =	sadd.s32 s17, s19  }
0x10: {  	s8 =	sadd.s32 s17, s20;
	s9 =	sadd.s32 s10, s19;
	s10 =	sadd.s32 s10, s20  }
0x11: {  	s11 =	sadd.s32 s12, s19;
	s12 =	sadd.s32 s12, s20;
	s13 =	sadd.s32 s14, s19  }
0x12: {  	s14 =	sadd.s32 s14, s20;
	s15 =	sadd.s32 s16, s19;
	s16 =	sadd.s32 s16, s20  }
0x13: {  	s17 =	sadd.s32 s18, s19;
	s18 =	sadd.s32 s18, s20;
	s19 =	sadd.s32 s21, s19  }
0x14: {  	v0 =	vimm.s32 $0x0;
	s20 =	sadd.s32 s21, s20;
	s21 =	simm.s32 $0x8000;
	s5 =	sadd.s32 $0x2A00, s31  }
.LBB2_1:
0x15: {  	[tilespmem:s2], [sflag:$0x1] =	stream.linear.gather [hbm4b:s3+s2], $0x8000, $0x38;
	[tilespmem:$0x12000] =	vst v63  }
0x16: {  	s30 =	simm.s32 $0x0;
	s31 =	simm.s32 $0x200  }
0x17: {  	[tilespmem:s21], [sflag:$0x2] =	stream.linear.gather [hbm4b:s4+s2], $0x8000, $0x38;
	[tilespmem:$0x12000] =	vst v63  }
.LBB2_2:
0x18: {  	p0 =	sne.s32 s31, $0x7E00;
	[tilespmem:s30+$0x10070] =	vst v0  }
0x19: {  	[tilespmem:s30+$0x10000] =	vst v0  }
0x1a: {  	[tilespmem:s30+$0x10010] =	vst v0  }
.Ltmp0:
0x1b: {  	[tilespmem:s30+$0x10020] =	vst v0;
	(pc) =	sbr.rel @p0 .LBB2_2-.Ltmp0, $4  }
0x1c: {  	[tilespmem:s30+$0x10030] =	vst v0  }
0x1d: {  	[tilespmem:s30+$0x10040] =	vst v0  }
0x1e: {  	[tilespmem:s30+$0x10050] =	vst v0  }
0x1f: {  	[tilespmem:s30+$0x10060] =	vst v0;
	s30 =	sshra.s32 s31, $0x2;
	s31 =	sadd.s32 $0x200, s31  }
0x20: {  	[tilespmem:s30+$0x10070] =	vst v0  }
0x21: {  	[tilespmem:s30+$0x10000] =	vst v0  }
0x22: {  	[tilespmem:s30+$0x10010] =	vst v0  }
0x23: {  	[tilespmem:s30+$0x10020] =	vst v0  }
0x24: {  	[tilespmem:s30+$0x10030] =	vst v0  }
0x25: {  	[tilespmem:s30+$0x10040] =	vst v0  }
0x26: {  	[tilespmem:s30+$0x10050] =	vst v0  }
0x27: {  	[tilespmem:s30+$0x10060] =	vst v0  }
0x28: {  	_ =	swait.ge [sflag:s22], $0x8000  }
0x29: {  	[sflag:s22] =	ssyncset.done $0x0  }
0x2a: {  	[sflag:s22] =	ssyncadd.s32 $0xFFFF8000  }
0x2b: {  	[tilespmem:s2], [sflag:$0x1] =	stream.linear.gather [hbm4b:s7+s2], $0x8000, $0x38;
	[tilespmem:$0x12000] =	vst v63  }
0x2c: {  	_ =	swait.ge [sflag:s23], $0x8000  }
0x2d: {  	[sflag:s23] =	ssyncset.done $0x0  }
0x2e: {  	[sflag:s23] =	ssyncadd.s32 $0xFFFF8000  }
0x2f: {  	[tilespmem:s21], [sflag:$0x2] =	stream.linear.gather [hbm4b:s8+s2], $0x8000, $0x38;
	[tilespmem:$0x12000] =	vst v63  }
0x30: {  	_ =	swait.ge [sflag:s22], $0x8000  }
0x31: {  	[sflag:s22] =	ssyncset.done $0x0  }
0x32: {  	[sflag:s22] =	ssyncadd.s32 $0xFFFF8000  }
0x33: {  	[tilespmem:s2], [sflag:$0x1] =	stream.linear.gather [hbm4b:s9+s2], $0x8000, $0x38;
	[tilespmem:$0x12000] =	vst v63  }
0x34: {  	_ =	swait.ge [sflag:s23], $0x8000  }
0x35: {  	[sflag:s23] =	ssyncset.done $0x0  }
0x36: {  	[sflag:s23] =	ssyncadd.s32 $0xFFFF8000  }
0x37: {  	[tilespmem:s21], [sflag:$0x2] =	stream.linear.gather [hbm4b:s10+s2], $0x8000, $0x38;
	[tilespmem:$0x12000] =	vst v63  }
0x38: {  	_ =	swait.ge [sflag:s22], $0x8000  }
0x39: {  	[sflag:s22] =	ssyncset.done $0x0  }
0x3a: {  	[sflag:s22] =	ssyncadd.s32 $0xFFFF8000  }
0x3b: {  	[tilespmem:s2], [sflag:$0x1] =	stream.linear.gather [hbm4b:s11+s2], $0x8000, $0x38;
	[tilespmem:$0x12000] =	vst v63  }
0x3c: {  	_ =	swait.ge [sflag:s23], $0x8000  }
0x3d: {  	[sflag:s23] =	ssyncset.done $0x0  }
0x3e: {  	[sflag:s23] =	ssyncadd.s32 $0xFFFF8000  }
0x3f: {  	[tilespmem:s21], [sflag:$0x2] =	stream.linear.gather [hbm4b:s12+s2], $0x8000, $0x38;
	[tilespmem:$0x12000] =	vst v63  }
0x40: {  	_ =	swait.ge [sflag:s22], $0x8000  }
0x41: {  	[sflag:s22] =	ssyncset.done $0x0  }
0x42: {  	[sflag:s22] =	ssyncadd.s32 $0xFFFF8000  }
0x43: {  	[tilespmem:s2], [sflag:$0x1] =	stream.linear.gather [hbm4b:s13+s2], $0x8000, $0x38;
	[tilespmem:$0x12000] =	vst v63  }
0x44: {  	_ =	swait.ge [sflag:s23], $0x8000  }
0x45: {  	[sflag:s23] =	ssyncset.done $0x0  }
0x46: {  	[sflag:s23] =	ssyncadd.s32 $0xFFFF8000  }
0x47: {  	[tilespmem:s21], [sflag:$0x2] =	stream.linear.gather [hbm4b:s14+s2], $0x8000, $0x38;
	[tilespmem:$0x12000] =	vst v63  }
0x48: {  	_ =	swait.ge [sflag:s22], $0x8000  }
0x49: {  	[sflag:s22] =	ssyncset.done $0x0  }
0x4a: {  	[sflag:s22] =	ssyncadd.s32 $0xFFFF8000  }
0x4b: {  	[tilespmem:s2], [sflag:$0x1] =	stream.linear.gather [hbm4b:s15+s2], $0x8000, $0x38;
	[tilespmem:$0x12000] =	vst v63  }
0x4c: {  	_ =	swait.ge [sflag:s23], $0x8000  }
0x4d: {  	[sflag:s23] =	ssyncset.done $0x0  }
0x4e: {  	[sflag:s23] =	ssyncadd.s32 $0xFFFF8000  }
0x4f: {  	[tilespmem:s21], [sflag:$0x2] =	stream.linear.gather [hbm4b:s16+s2], $0x8000, $0x38;
	[tilespmem:$0x12000] =	vst v63  }
0x50: {  	_ =	swait.ge [sflag:s22], $0x8000  }
0x51: {  	[sflag:s22] =	ssyncset.done $0x0  }
0x52: {  	[sflag:s22] =	ssyncadd.s32 $0xFFFF8000  }
0x53: {  	[tilespmem:s2], [sflag:$0x1] =	stream.linear.gather [hbm4b:s17+s2], $0x8000, $0x38;
	[tilespmem:$0x12000] =	vst v63  }
0x54: {  	_ =	swait.ge [sflag:s23], $0x8000  }
0x55: {  	[sflag:s23] =	ssyncset.done $0x0  }
0x56: {  	[sflag:s23] =	ssyncadd.s32 $0xFFFF8000  }
0x57: {  	[tilespmem:s21], [sflag:$0x2] =	stream.linear.gather [hbm4b:s18+s2], $0x8000, $0x38;
	[tilespmem:$0x12000] =	vst v63  }
0x58: {  	_ =	swait.ge [sflag:s22], $0x8000  }
0x59: {  	[sflag:s22] =	ssyncset.done $0x0  }
0x5a: {  	[sflag:s22] =	ssyncadd.s32 $0xFFFF8000  }
0x5b: {  	[tilespmem:s2], [sflag:$0x1] =	stream.linear.gather [hbm4b:s19+s2], $0x8000, $0x38;
	[tilespmem:$0x12000] =	vst v63  }
0x5c: {  	_ =	swait.ge [sflag:s23], $0x8000  }
0x5d: {  	[sflag:s23] =	ssyncset.done $0x0  }
0x5e: {  	[sflag:s23] =	ssyncadd.s32 $0xFFFF8000  }
0x5f: {  	[tilespmem:s21], [sflag:$0x2] =	stream.linear.gather [hbm4b:s20+s2], $0x8000, $0x38;
	[tilespmem:$0x12000] =	vst v63  }
0x60: {  	_ =	swait.ge [sflag:s22], $0x8000  }
0x61: {  	[sflag:s22] =	ssyncset.done $0x0  }
0x62: {  	[sflag:s22] =	ssyncadd.s32 $0xFFFF8000  }
0x63: {  	s29 =	sadd.s32 $0x1, s29;
	_ =	swait.ge [sflag:s23], $0x8000  }
0x64: {  	p0 =	sne.s32 s29, s6;
	[sflag:s23] =	ssyncset.done $0x0  }
.Ltmp1:
0x65: {  	[sflag:s23] =	ssyncadd.s32 $0xFFFF8000;
	(pc) =	sbr.rel @p0 .LBB2_1-.Ltmp1, $4  }
0x66: {  	[hbm4b:s5+s24] =	stream.strided.scatter [tilespmem:s26], [sflag:$0x3], $0x2000, s25, s24, $0x38;
	[tilespmem:$0x12000] =	vst v63  }
0x67: {  	_ =	swait.ge [sflag:s28], $0x2000  }
0x68: {  	[sflag:s28] =	ssyncset.done $0x0  }
0x69: {  	[sflag:s28] =	ssyncadd.s32 $0xFFFFE000  }
0x6a: {  	_ =	sfence.sel $0x180000  }
0x6b: {  	[bflag:$0x0] =	sbarrier.arrive $0xFFFF  }
0x6c: {  	p0 =	sne.s32 s1, $0x0;
	_ =	strace $0x90000047  }
0x6d: {  	s0 =	sadd.s32 @!p0 $0x100000, s0;
	[bflag:$0x2] =	sbarrier.arrive $0xFFFF  }
0x6e: {  	[sflag:s0] =	ssyncadd.tile.s32 @!p0 $0x1;
	_ =	shalt  }
.Lfunc_end2:
_tile_overlayer_lowered:
.L_overlay_start_2:
0x6f: {  	(tag) =	ssettag $0x2  }
0x70: {  	s0 =	rddreg [dreg:$0x0];
	s2 =	stileid.u32  }
0x71: {  	s1 =	rddreg [dreg:$0x1];
	p0 =	sne.s32 s2, $0x0  }
0x72: {  	s3 =	rddreg [dreg:$0x2];
	[bflag:$0x3] =	sbarrier.arrive $0xFFFF;
	s2 =	simm.s32 @!p0 $0x1C03  }
0x73: {  	[timem:s3], [sflag:s2] =	dma.local @!p0 [hbm:s0], s1  }
0x74: {  	s0 =	simm.s32 @!p0 $0x3  }
0x75: {  	_ =	swait.ge @!p0 [sflag:s0], s1  }
0x76: {  	s1 =	ssub.s32 @!p0 $0x0, s1;
	[sflag:s0] =	ssyncset.done @!p0 $0x0  }
0x77: {  	[sflag:s0] =	ssyncadd.s32 @!p0 s1  }
0x78: {  	[bflag:$0x3] =	sbarrier.arrive $0xFFFF  }
0x79: {  	_ =	shalt  }

</sc_bundles>
